<compile_context>
chip_gen: v7x
topology: tpu7x:2x2x1
jax: 0.10.2.dev20260603
libtpu: 0.0.44.dev20260713+nightly
codegen_flags: <defaults>
</compile_context>

<pallas_src>
import functools

import jax
import jax.numpy as jnp
from jax import lax
from jax.experimental import pallas as pl
from jax.experimental.pallas import tpu as pltpu
from jax.experimental.pallas import tpu_sc as plsc

_TC_BLOCK_ROWS = 2048

_NC = 2
_NS = 16
_NW = _NC * _NS
_SC_CHUNK_ROWS = 32


def _tc_body(src, dst):
    dst[...] = src[...]


def _tc_copy(x):
    n_rows, n_cols = x.shape
    spec = pl.BlockSpec((_TC_BLOCK_ROWS, n_cols), lambda i: (i, 0))
    return pl.pallas_call(
        _tc_body,
        grid=(n_rows // _TC_BLOCK_ROWS,),
        in_specs=[spec],
        out_specs=spec,
        out_shape=jax.ShapeDtypeStruct(x.shape, x.dtype),
    )(x)


def _sc_copy(x):
    n_rows, n_cols = x.shape
    rows_per_w = n_rows // _NW
    n_chunks = rows_per_w // _SC_CHUNK_ROWS
    mesh = plsc.VectorSubcoreMesh(
        core_axis_name="c", subcore_axis_name="s", num_cores=_NC
    )

    @functools.partial(
        pl.kernel,
        mesh=mesh,
        out_type=jax.ShapeDtypeStruct(x.shape, x.dtype),
        scratch_types=[
            pltpu.VMEM((2, _SC_CHUNK_ROWS, n_cols), jnp.float32),
            pltpu.SemaphoreType.DMA((2,)),
            pltpu.SemaphoreType.DMA((2,)),
        ],
    )
    def body(src, dst, bufs, ld_sem, st_sem):
        wid = lax.axis_index("s") * _NC + lax.axis_index("c")
        base = wid * rows_per_w

        lds, sts = [], []
        for c in range(n_chunks):
            s = c % 2
            sl = pl.ds(base + c * _SC_CHUNK_ROWS, _SC_CHUNK_ROWS)
            lds.append(pltpu.make_async_copy(src.at[sl], bufs.at[s], ld_sem.at[s]))
            sts.append(pltpu.make_async_copy(bufs.at[s], dst.at[sl], st_sem.at[s]))

        lds[0].start()
        for k in range(n_chunks):
            if k + 1 < n_chunks:
                if k >= 1:
                    sts[k - 1].wait()
                lds[k + 1].start()
            lds[k].wait()
            sts[k].start()
        sts[n_chunks - 2].wait()
        sts[n_chunks - 1].wait()

    return body(x)


def kernel(image_feat, text_feat):
    return (_tc_copy(image_feat), _sc_copy(text_feat))

# --- scband reference (transcript-rebuilt; emitter-appended) ---
"""Pipeline reference for scband-kdmodel-81183471829527 (READ-ONLY COPY).

The authoritative reference and input builder live on the scoring server;
editing this copy changes nothing except your own understanding.
"""

import jax, jax.numpy as jnp
import numpy as np


def setup_inputs(seed: int = 0) -> dict:
    key = jax.random.key(seed)
    k1, k2 = jax.random.split(key)
    image_feat = jax.random.normal(k1, (16384, 1024), dtype=jnp.float32)
    text_feat = jax.random.normal(k2, (16384, 1024), dtype=jnp.float32)
    return {"image_feat": image_feat, "text_feat": text_feat}


def reference(image_feat, text_feat):
    # Faithful translation of KDModel.forward(outputs_s):
    #   return (outputs_s['image_feat'], outputs_s['text_feat'])
    # i.e., a pure pass-through of the student image/text features.
    return (image_feat, text_feat)

if __name__ == "__main__":
    import jax
    _d = setup_inputs()
    print(jax.jit(kernel)(*tuple(_d.values())))

</pallas_src>

<mosaic_0001>
#map = affine_map<(d0, d1) -> (0, 0)>
module attributes {stable_mosaic.version = 14 : i64} {
  func.func @body(%arg0: i32, %arg1: i32, %arg2: memref<16384x1024xf32, #tpu.memory_space<hbm>>, %arg3: memref<16384x1024xf32, #tpu.memory_space<hbm>>, %arg4: memref<2x32x1024xf32, #tpu.memory_space<vmem>>, %arg5: memref<2x!tpu.dma_semaphore, #tpu.memory_space<semaphore_mem>>, %arg6: memref<2x!tpu.dma_semaphore, #tpu.memory_space<semaphore_mem>>) attributes {dimension_semantics = [#tpu.dimension_semantics<core_parallel>, #tpu.dimension_semantics<subcore_parallel>], iteration_bounds = array<i64: 2, 16>, scalar_prefetch = 0 : i64, scratch_operands = 3 : i64, tpu.core_type = #tpu.core_type<sc_vector_subcore>, window_params = [{transform_indices = #map}, {transform_indices = #map}]} {
    %mul3A = arith.constant 2 : i32
    %mul3A_0 = arith.muli %arg1, %mul3A : i32
    %add3A = arith.addi %mul3A_0, %arg0 : i32
    %mul3A_1 = arith.constant 512 : i32
    %mul3A_2 = arith.muli %add3A, %mul3A_1 : i32
    %add3A_3 = arith.constant 0 : i32
    %add3A_4 = arith.addi %mul3A_2, %add3A_3 : i32
    %add3A_5 = arith.constant 32 : i32
    %add3A_6 = arith.addi %mul3A_2, %add3A_5 : i32
    %add3A_7 = arith.constant 64 : i32
    %add3A_8 = arith.addi %mul3A_2, %add3A_7 : i32
    %add3A_9 = arith.constant 96 : i32
    %add3A_10 = arith.addi %mul3A_2, %add3A_9 : i32
    %add3A_11 = arith.constant 128 : i32
    %add3A_12 = arith.addi %mul3A_2, %add3A_11 : i32
    %add3A_13 = arith.constant 160 : i32
    %add3A_14 = arith.addi %mul3A_2, %add3A_13 : i32
    %add3A_15 = arith.constant 192 : i32
    %add3A_16 = arith.addi %mul3A_2, %add3A_15 : i32
    %add3A_17 = arith.constant 224 : i32
    %add3A_18 = arith.addi %mul3A_2, %add3A_17 : i32
    %add3A_19 = arith.constant 256 : i32
    %add3A_20 = arith.addi %mul3A_2, %add3A_19 : i32
    %add3A_21 = arith.constant 288 : i32
    %add3A_22 = arith.addi %mul3A_2, %add3A_21 : i32
    %add3A_23 = arith.constant 320 : i32
    %add3A_24 = arith.addi %mul3A_2, %add3A_23 : i32
    %add3A_25 = arith.constant 352 : i32
    %add3A_26 = arith.addi %mul3A_2, %add3A_25 : i32
    %add3A_27 = arith.constant 384 : i32
    %add3A_28 = arith.addi %mul3A_2, %add3A_27 : i32
    %add3A_29 = arith.constant 416 : i32
    %add3A_30 = arith.addi %mul3A_2, %add3A_29 : i32
    %add3A_31 = arith.constant 448 : i32
    %add3A_32 = arith.addi %mul3A_2, %add3A_31 : i32
    %add3A_33 = arith.constant 480 : i32
    %add3A_34 = arith.addi %mul3A_2, %add3A_33 : i32
    %dma_start3A = arith.constant 0 : i32
    %dma_start3A_35 = arith.constant 0 : i32
    %dma_start3A_36 = arith.constant 0 : i32
    %dma_start3A_37 = arith.constant 0 : i32
    %dma_start3A_38 = tpu.memref_slice %arg4[%dma_start3A, %dma_start3A_36, %dma_start3A_37] : memref<2x32x1024xf32, #tpu.memory_space<vmem>> -> memref<1x32x1024xf32, #tpu.memory_space<vmem>>
    %dma_start3A_39 = tpu.memref_squeeze %dma_start3A_38 : memref<1x32x1024xf32, #tpu.memory_space<vmem>> -> memref<32x1024xf32, #tpu.memory_space<vmem>>
    %dma_start3A_40 = arith.constant 0 : i32
    %dma_start3A_41 = tpu.memref_slice %arg2[%add3A_4, %dma_start3A_40] : memref<16384x1024xf32, #tpu.memory_space<hbm>> -> memref<32x1024xf32, #tpu.memory_space<hbm>>
    %dma_start3A_42 = tpu.memref_slice %arg5[%dma_start3A_35] : memref<2x!tpu.dma_semaphore, #tpu.memory_space<semaphore_mem>> -> memref<1x!tpu.dma_semaphore, #tpu.memory_space<semaphore_mem>>
    %dma_start3A_43 = tpu.memref_squeeze %dma_start3A_42 : memref<1x!tpu.dma_semaphore, #tpu.memory_space<semaphore_mem>> -> memref<!tpu.dma_semaphore, #tpu.memory_space<semaphore_mem>>
    %dma_start3A_44 = arith.constant 0 : i32
    %dma_start3A_45 = arith.constant 0 : i32
    %dma_start3A_46 = tpu.memref_slice %arg4[%dma_start3A, %dma_start3A_44, %dma_start3A_45] : memref<2x32x1024xf32, #tpu.memory_space<vmem>> -> memref<1x32x1024xf32, #tpu.memory_space<vmem>>
    %dma_start3A_47 = tpu.memref_squeeze %dma_start3A_46 : memref<1x32x1024xf32, #tpu.memory_space<vmem>> -> memref<32x1024xf32, #tpu.memory_space<vmem>>
    %dma_start3A_48 = arith.constant 0 : i32
    %dma_start3A_49 = tpu.memref_slice %arg2[%add3A_4, %dma_start3A_48] : memref<16384x1024xf32, #tpu.memory_space<hbm>> -> memref<32x1024xf32, #tpu.memory_space<hbm>>
    tpu.enqueue_dma source(%dma_start3A_49 : memref<32x1024xf32, #tpu.memory_space<hbm>>) target(%dma_start3A_47 : memref<32x1024xf32, #tpu.memory_space<vmem>>) target_semaphore(%dma_start3A_43 : memref<!tpu.dma_semaphore, #tpu.memory_space<semaphore_mem>>)
    %dma_start3A_50 = arith.constant 1 : i32
    %dma_start3A_51 = arith.constant 1 : i32
    %dma_start3A_52 = arith.constant 0 : i32
    %dma_start3A_53 = arith.constant 0 : i32
    %dma_start3A_54 = tpu.memref_slice %arg4[%dma_start3A_50, %dma_start3A_52, %dma_start3A_53] : memref<2x32x1024xf32, #tpu.memory_space<vmem>> -> memref<1x32x1024xf32, #tpu.memory_space<vmem>>
    %dma_start3A_55 = tpu.memref_squeeze %dma_start3A_54 : memref<1x32x1024xf32, #tpu.memory_space<vmem>> -> memref<32x1024xf32, #tpu.memory_space<vmem>>
    %dma_start3A_56 = arith.constant 0 : i32
    %dma_start3A_57 = tpu.memref_slice %arg2[%add3A_6, %dma_start3A_56] : memref<16384x1024xf32, #tpu.memory_space<hbm>> -> memref<32x1024xf32, #tpu.memory_space<hbm>>
    %dma_start3A_58 = tpu.memref_slice %arg5[%dma_start3A_51] : memref<2x!tpu.dma_semaphore, #tpu.memory_space<semaphore_mem>> -> memref<1x!tpu.dma_semaphore, #tpu.memory_space<semaphore_mem>>
    %dma_start3A_59 = tpu.memref_squeeze %dma_start3A_58 : memref<1x!tpu.dma_semaphore, #tpu.memory_space<semaphore_mem>> -> memref<!tpu.dma_semaphore, #tpu.memory_space<semaphore_mem>>
    %dma_start3A_60 = arith.constant 0 : i32
    %dma_start3A_61 = arith.constant 0 : i32
    %dma_start3A_62 = tpu.memref_slice %arg4[%dma_start3A_50, %dma_start3A_60, %dma_start3A_61] : memref<2x32x1024xf32, #tpu.memory_space<vmem>> -> memref<1x32x1024xf32, #tpu.memory_space<vmem>>
    %dma_start3A_63 = tpu.memref_squeeze %dma_start3A_62 : memref<1x32x1024xf32, #tpu.memory_space<vmem>> -> memref<32x1024xf32, #tpu.memory_space<vmem>>
    %dma_start3A_64 = arith.constant 0 : i32
    %dma_start3A_65 = tpu.memref_slice %arg2[%add3A_6, %dma_start3A_64] : memref<16384x1024xf32, #tpu.memory_space<hbm>> -> memref<32x1024xf32, #tpu.memory_space<hbm>>
    tpu.enqueue_dma source(%dma_start3A_65 : memref<32x1024xf32, #tpu.memory_space<hbm>>) target(%dma_start3A_63 : memref<32x1024xf32, #tpu.memory_space<vmem>>) target_semaphore(%dma_start3A_59 : memref<!tpu.dma_semaphore, #tpu.memory_space<semaphore_mem>>)
    %dma_wait3A = arith.constant 0 : i32
    %dma_wait3A_66 = arith.constant 0 : i32
    %dma_wait3A_67 = arith.constant 0 : i32
    %dma_wait3A_68 = arith.constant 0 : i32
    %dma_wait3A_69 = tpu.memref_slice %arg4[%dma_wait3A, %dma_wait3A_67, %dma_wait3A_68] : memref<2x32x1024xf32, #tpu.memory_space<vmem>> -> memref<1x32x1024xf32, #tpu.memory_space<vmem>>
    %dma_wait3A_70 = tpu.memref_squeeze %dma_wait3A_69 : memref<1x32x1024xf32, #tpu.memory_space<vmem>> -> memref<32x1024xf32, #tpu.memory_space<vmem>>
    %dma_wait3A_71 = arith.constant 0 : i32
    %dma_wait3A_72 = tpu.memref_slice %arg2[%add3A_4, %dma_wait3A_71] : memref<16384x1024xf32, #tpu.memory_space<hbm>> -> memref<32x1024xf32, #tpu.memory_space<hbm>>
    %dma_wait3A_73 = tpu.memref_slice %arg5[%dma_wait3A_66] : memref<2x!tpu.dma_semaphore, #tpu.memory_space<semaphore_mem>> -> memref<1x!tpu.dma_semaphore, #tpu.memory_space<semaphore_mem>>
    %dma_wait3A_74 = tpu.memref_squeeze %dma_wait3A_73 : memref<1x!tpu.dma_semaphore, #tpu.memory_space<semaphore_mem>> -> memref<!tpu.dma_semaphore, #tpu.memory_space<semaphore_mem>>
    %dma_wait3A_75 = arith.constant 0 : i32
    %dma_wait3A_76 = arith.constant 0 : i32
    %dma_wait3A_77 = tpu.memref_slice %arg4[%dma_wait3A, %dma_wait3A_75, %dma_wait3A_76] : memref<2x32x1024xf32, #tpu.memory_space<vmem>> -> memref<1x32x1024xf32, #tpu.memory_space<vmem>>
    %dma_wait3A_78 = tpu.memref_squeeze %dma_wait3A_77 : memref<1x32x1024xf32, #tpu.memory_space<vmem>> -> memref<32x1024xf32, #tpu.memory_space<vmem>>
    %dma_wait3A_79 = arith.constant 0 : i32
    %dma_wait3A_80 = tpu.memref_slice %arg2[%add3A_4, %dma_wait3A_79] : memref<16384x1024xf32, #tpu.memory_space<hbm>> -> memref<32x1024xf32, #tpu.memory_space<hbm>>
    tpu.wait_dma2 semaphore(%dma_wait3A_74 : memref<!tpu.dma_semaphore, #tpu.memory_space<semaphore_mem>>) src(%dma_wait3A_80 : memref<32x1024xf32, #tpu.memory_space<hbm>>) dst(%dma_wait3A_78 : memref<32x1024xf32, #tpu.memory_space<vmem>>)
    %dma_start3A_81 = arith.constant 0 : i32
    %dma_start3A_82 = arith.constant 0 : i32
    %dma_start3A_83 = arith.constant 0 : i32
    %dma_start3A_84 = arith.constant 0 : i32
    %dma_start3A_85 = tpu.memref_slice %arg4[%dma_start3A_81, %dma_start3A_83, %dma_start3A_84] : memref<2x32x1024xf32, #tpu.memory_space<vmem>> -> memref<1x32x1024xf32, #tpu.memory_space<vmem>>
    %dma_start3A_86 = tpu.memref_squeeze %dma_start3A_85 : memref<1x32x1024xf32, #tpu.memory_space<vmem>> -> memref<32x1024xf32, #tpu.memory_space<vmem>>
    %dma_start3A_87 = arith.constant 0 : i32
    %dma_start3A_88 = tpu.memref_slice %arg3[%add3A_4, %dma_start3A_87] : memref<16384x1024xf32, #tpu.memory_space<hbm>> -> memref<32x1024xf32, #tpu.memory_space<hbm>>
    %dma_start3A_89 = tpu.memref_slice %arg6[%dma_start3A_82] : memref<2x!tpu.dma_semaphore, #tpu.memory_space<semaphore_mem>> -> memref<1x!tpu.dma_semaphore, #tpu.memory_space<semaphore_mem>>
    %dma_start3A_90 = tpu.memref_squeeze %dma_start3A_89 : memref<1x!tpu.dma_semaphore, #tpu.memory_space<semaphore_mem>> -> memref<!tpu.dma_semaphore, #tpu.memory_space<semaphore_mem>>
    %dma_start3A_91 = arith.constant 0 : i32
    %dma_start3A_92 = tpu.memref_slice %arg3[%add3A_4, %dma_start3A_91] : memref<16384x1024xf32, #tpu.memory_space<hbm>> -> memref<32x1024xf32, #tpu.memory_space<hbm>>
    %dma_start3A_93 = arith.constant 0 : i32
    %dma_start3A_94 = arith.constant 0 : i32
    %dma_start3A_95 = tpu.memref_slice %arg4[%dma_start3A_81, %dma_start3A_93, %dma_start3A_94] : memref<2x32x1024xf32, #tpu.memory_space<vmem>> -> memref<1x32x1024xf32, #tpu.memory_space<vmem>>
    %dma_start3A_96 = tpu.memref_squeeze %dma_start3A_95 : memref<1x32x1024xf32, #tpu.memory_space<vmem>> -> memref<32x1024xf32, #tpu.memory_space<vmem>>
    tpu.enqueue_dma source(%dma_start3A_96 : memref<32x1024xf32, #tpu.memory_space<vmem>>) target(%dma_start3A_92 : memref<32x1024xf32, #tpu.memory_space<hbm>>) target_semaphore(%dma_start3A_90 : memref<!tpu.dma_semaphore, #tpu.memory_space<semaphore_mem>>)
    %dma_wait3A_97 = arith.constant 0 : i32
    %dma_wait3A_98 = arith.constant 0 : i32
    %dma_wait3A_99 = arith.constant 0 : i32
    %dma_wait3A_100 = arith.constant 0 : i32
    %dma_wait3A_101 = tpu.memref_slice %arg4[%dma_wait3A_97, %dma_wait3A_99, %dma_wait3A_100] : memref<2x32x1024xf32, #tpu.memory_space<vmem>> -> memref<1x32x1024xf32, #tpu.memory_space<vmem>>
    %dma_wait3A_102 = tpu.memref_squeeze %dma_wait3A_101 : memref<1x32x1024xf32, #tpu.memory_space<vmem>> -> memref<32x1024xf32, #tpu.memory_space<vmem>>
    %dma_wait3A_103 = arith.constant 0 : i32
    %dma_wait3A_104 = tpu.memref_slice %arg3[%add3A_4, %dma_wait3A_103] : memref<16384x1024xf32, #tpu.memory_space<hbm>> -> memref<32x1024xf32, #tpu.memory_space<hbm>>
    %dma_wait3A_105 = tpu.memref_slice %arg6[%dma_wait3A_98] : memref<2x!tpu.dma_semaphore, #tpu.memory_space<semaphore_mem>> -> memref<1x!tpu.dma_semaphore, #tpu.memory_space<semaphore_mem>>
    %dma_wait3A_106 = tpu.memref_squeeze %dma_wait3A_105 : memref<1x!tpu.dma_semaphore, #tpu.memory_space<semaphore_mem>> -> memref<!tpu.dma_semaphore, #tpu.memory_space<semaphore_mem>>
    %dma_wait3A_107 = arith.constant 0 : i32
    %dma_wait3A_108 = tpu.memref_slice %arg3[%add3A_4, %dma_wait3A_107] : memref<16384x1024xf32, #tpu.memory_space<hbm>> -> memref<32x1024xf32, #tpu.memory_space<hbm>>
    %dma_wait3A_109 = arith.constant 0 : i32
    %dma_wait3A_110 = arith.constant 0 : i32
    %dma_wait3A_111 = tpu.memref_slice %arg4[%dma_wait3A_97, %dma_wait3A_109, %dma_wait3A_110] : memref<2x32x1024xf32, #tpu.memory_space<vmem>> -> memref<1x32x1024xf32, #tpu.memory_space<vmem>>
    %dma_wait3A_112 = tpu.memref_squeeze %dma_wait3A_111 : memref<1x32x1024xf32, #tpu.memory_space<vmem>> -> memref<32x1024xf32, #tpu.memory_space<vmem>>
    tpu.wait_dma2 semaphore(%dma_wait3A_106 : memref<!tpu.dma_semaphore, #tpu.memory_space<semaphore_mem>>) src(%dma_wait3A_112 : memref<32x1024xf32, #tpu.memory_space<vmem>>) dst(%dma_wait3A_108 : memref<32x1024xf32, #tpu.memory_space<hbm>>)
    %dma_start3A_113 = arith.constant 0 : i32
    %dma_start3A_114 = arith.constant 0 : i32
    %dma_start3A_115 = arith.constant 0 : i32
    %dma_start3A_116 = arith.constant 0 : i32
    %dma_start3A_117 = tpu.memref_slice %arg4[%dma_start3A_113, %dma_start3A_115, %dma_start3A_116] : memref<2x32x1024xf32, #tpu.memory_space<vmem>> -> memref<1x32x1024xf32, #tpu.memory_space<vmem>>
    %dma_start3A_118 = tpu.memref_squeeze %dma_start3A_117 : memref<1x32x1024xf32, #tpu.memory_space<vmem>> -> memref<32x1024xf32, #tpu.memory_space<vmem>>
    %dma_start3A_119 = arith.constant 0 : i32
    %dma_start3A_120 = tpu.memref_slice %arg2[%add3A_8, %dma_start3A_119] : memref<16384x1024xf32, #tpu.memory_space<hbm>> -> memref<32x1024xf32, #tpu.memory_space<hbm>>
    %dma_start3A_121 = tpu.memref_slice %arg5[%dma_start3A_114] : memref<2x!tpu.dma_semaphore, #tpu.memory_space<semaphore_mem>> -> memref<1x!tpu.dma_semaphore, #tpu.memory_space<semaphore_mem>>
    %dma_start3A_122 = tpu.memref_squeeze %dma_start3A_121 : memref<1x!tpu.dma_semaphore, #tpu.memory_space<semaphore_mem>> -> memref<!tpu.dma_semaphore, #tpu.memory_space<semaphore_mem>>
    %dma_start3A_123 = arith.constant 0 : i32
    %dma_start3A_124 = arith.constant 0 : i32
    %dma_start3A_125 = tpu.memref_slice %arg4[%dma_start3A_113, %dma_start3A_123, %dma_start3A_124] : memref<2x32x1024xf32, #tpu.memory_space<vmem>> -> memref<1x32x1024xf32, #tpu.memory_space<vmem>>
    %dma_start3A_126 = tpu.memref_squeeze %dma_start3A_125 : memref<1x32x1024xf32, #tpu.memory_space<vmem>> -> memref<32x1024xf32, #tpu.memory_space<vmem>>
    %dma_start3A_127 = arith.constant 0 : i32
    %dma_start3A_128 = tpu.memref_slice %arg2[%add3A_8, %dma_start3A_127] : memref<16384x1024xf32, #tpu.memory_space<hbm>> -> memref<32x1024xf32, #tpu.memory_space<hbm>>
    tpu.enqueue_dma source(%dma_start3A_128 : memref<32x1024xf32, #tpu.memory_space<hbm>>) target(%dma_start3A_126 : memref<32x1024xf32, #tpu.memory_space<vmem>>) target_semaphore(%dma_start3A_122 : memref<!tpu.dma_semaphore, #tpu.memory_space<semaphore_mem>>)
    %dma_wait3A_129 = arith.constant 1 : i32
    %dma_wait3A_130 = arith.constant 1 : i32
    %dma_wait3A_131 = arith.constant 0 : i32
    %dma_wait3A_132 = arith.constant 0 : i32
    %dma_wait3A_133 = tpu.memref_slice %arg4[%dma_wait3A_129, %dma_wait3A_131, %dma_wait3A_132] : memref<2x32x1024xf32, #tpu.memory_space<vmem>> -> memref<1x32x1024xf32, #tpu.memory_space<vmem>>
    %dma_wait3A_134 = tpu.memref_squeeze %dma_wait3A_133 : memref<1x32x1024xf32, #tpu.memory_space<vmem>> -> memref<32x1024xf32, #tpu.memory_space<vmem>>
    %dma_wait3A_135 = arith.constant 0 : i32
    %dma_wait3A_136 = tpu.memref_slice %arg2[%add3A_6, %dma_wait3A_135] : memref<16384x1024xf32, #tpu.memory_space<hbm>> -> memref<32x1024xf32, #tpu.memory_space<hbm>>
    %dma_wait3A_137 = tpu.memref_slice %arg5[%dma_wait3A_130] : memref<2x!tpu.dma_semaphore, #tpu.memory_space<semaphore_mem>> -> memref<1x!tpu.dma_semaphore, #tpu.memory_space<semaphore_mem>>
    %dma_wait3A_138 = tpu.memref_squeeze %dma_wait3A_137 : memref<1x!tpu.dma_semaphore, #tpu.memory_space<semaphore_mem>> -> memref<!tpu.dma_semaphore, #tpu.memory_space<semaphore_mem>>
    %dma_wait3A_139 = arith.constant 0 : i32
    %dma_wait3A_140 = arith.constant 0 : i32
    %dma_wait3A_141 = tpu.memref_slice %arg4[%dma_wait3A_129, %dma_wait3A_139, %dma_wait3A_140] : memref<2x32x1024xf32, #tpu.memory_space<vmem>> -> memref<1x32x1024xf32, #tpu.memory_space<vmem>>
    %dma_wait3A_142 = tpu.memref_squeeze %dma_wait3A_141 : memref<1x32x1024xf32, #tpu.memory_space<vmem>> -> memref<32x1024xf32, #tpu.memory_space<vmem>>
    %dma_wait3A_143 = arith.constant 0 : i32
    %dma_wait3A_144 = tpu.memref_slice %arg2[%add3A_6, %dma_wait3A_143] : memref<16384x1024xf32, #tpu.memory_space<hbm>> -> memref<32x1024xf32, #tpu.memory_space<hbm>>
    tpu.wait_dma2 semaphore(%dma_wait3A_138 : memref<!tpu.dma_semaphore, #tpu.memory_space<semaphore_mem>>) src(%dma_wait3A_144 : memref<32x1024xf32, #tpu.memory_space<hbm>>) dst(%dma_wait3A_142 : memref<32x1024xf32, #tpu.memory_space<vmem>>)
    %dma_start3A_145 = arith.constant 1 : i32
    %dma_start3A_146 = arith.constant 1 : i32
    %dma_start3A_147 = arith.constant 0 : i32
    %dma_start3A_148 = arith.constant 0 : i32
    %dma_start3A_149 = tpu.memref_slice %arg4[%dma_start3A_145, %dma_start3A_147, %dma_start3A_148] : memref<2x32x1024xf32, #tpu.memory_space<vmem>> -> memref<1x32x1024xf32, #tpu.memory_space<vmem>>
    %dma_start3A_150 = tpu.memref_squeeze %dma_start3A_149 : memref<1x32x1024xf32, #tpu.memory_space<vmem>> -> memref<32x1024xf32, #tpu.memory_space<vmem>>
    %dma_start3A_151 = arith.constant 0 : i32
    %dma_start3A_152 = tpu.memref_slice %arg3[%add3A_6, %dma_start3A_151] : memref<16384x1024xf32, #tpu.memory_space<hbm>> -> memref<32x1024xf32, #tpu.memory_space<hbm>>
    %dma_start3A_153 = tpu.memref_slice %arg6[%dma_start3A_146] : memref<2x!tpu.dma_semaphore, #tpu.memory_space<semaphore_mem>> -> memref<1x!tpu.dma_semaphore, #tpu.memory_space<semaphore_mem>>
    %dma_start3A_154 = tpu.memref_squeeze %dma_start3A_153 : memref<1x!tpu.dma_semaphore, #tpu.memory_space<semaphore_mem>> -> memref<!tpu.dma_semaphore, #tpu.memory_space<semaphore_mem>>
    %dma_start3A_155 = arith.constant 0 : i32
    %dma_start3A_156 = tpu.memref_slice %arg3[%add3A_6, %dma_start3A_155] : memref<16384x1024xf32, #tpu.memory_space<hbm>> -> memref<32x1024xf32, #tpu.memory_space<hbm>>
    %dma_start3A_157 = arith.constant 0 : i32
    %dma_start3A_158 = arith.constant 0 : i32
    %dma_start3A_159 = tpu.memref_slice %arg4[%dma_start3A_145, %dma_start3A_157, %dma_start3A_158] : memref<2x32x1024xf32, #tpu.memory_space<vmem>> -> memref<1x32x1024xf32, #tpu.memory_space<vmem>>
    %dma_start3A_160 = tpu.memref_squeeze %dma_start3A_159 : memref<1x32x1024xf32, #tpu.memory_space<vmem>> -> memref<32x1024xf32, #tpu.memory_space<vmem>>
    tpu.enqueue_dma source(%dma_start3A_160 : memref<32x1024xf32, #tpu.memory_space<vmem>>) target(%dma_start3A_156 : memref<32x1024xf32, #tpu.memory_space<hbm>>) target_semaphore(%dma_start3A_154 : memref<!tpu.dma_semaphore, #tpu.memory_space<semaphore_mem>>)
    %dma_wait3A_161 = arith.constant 1 : i32
    %dma_wait3A_162 = arith.constant 1 : i32
    %dma_wait3A_163 = arith.constant 0 : i32
    %dma_wait3A_164 = arith.constant 0 : i32
    %dma_wait3A_165 = tpu.memref_slice %arg4[%dma_wait3A_161, %dma_wait3A_163, %dma_wait3A_164] : memref<2x32x1024xf32, #tpu.memory_space<vmem>> -> memref<1x32x1024xf32, #tpu.memory_space<vmem>>
    %dma_wait3A_166 = tpu.memref_squeeze %dma_wait3A_165 : memref<1x32x1024xf32, #tpu.memory_space<vmem>> -> memref<32x1024xf32, #tpu.memory_space<vmem>>
    %dma_wait3A_167 = arith.constant 0 : i32
    %dma_wait3A_168 = tpu.memref_slice %arg3[%add3A_6, %dma_wait3A_167] : memref<16384x1024xf32, #tpu.memory_space<hbm>> -> memref<32x1024xf32, #tpu.memory_space<hbm>>
    %dma_wait3A_169 = tpu.memref_slice %arg6[%dma_wait3A_162] : memref<2x!tpu.dma_semaphore, #tpu.memory_space<semaphore_mem>> -> memref<1x!tpu.dma_semaphore, #tpu.memory_space<semaphore_mem>>
    %dma_wait3A_170 = tpu.memref_squeeze %dma_wait3A_169 : memref<1x!tpu.dma_semaphore, #tpu.memory_space<semaphore_mem>> -> memref<!tpu.dma_semaphore, #tpu.memory_space<semaphore_mem>>
    %dma_wait3A_171 = arith.constant 0 : i32
    %dma_wait3A_172 = tpu.memref_slice %arg3[%add3A_6, %dma_wait3A_171] : memref<16384x1024xf32, #tpu.memory_space<hbm>> -> memref<32x1024xf32, #tpu.memory_space<hbm>>
    %dma_wait3A_173 = arith.constant 0 : i32
    %dma_wait3A_174 = arith.constant 0 : i32
    %dma_wait3A_175 = tpu.memref_slice %arg4[%dma_wait3A_161, %dma_wait3A_173, %dma_wait3A_174] : memref<2x32x1024xf32, #tpu.memory_space<vmem>> -> memref<1x32x1024xf32, #tpu.memory_space<vmem>>
    %dma_wait3A_176 = tpu.memref_squeeze %dma_wait3A_175 : memref<1x32x1024xf32, #tpu.memory_space<vmem>> -> memref<32x1024xf32, #tpu.memory_space<vmem>>
    tpu.wait_dma2 semaphore(%dma_wait3A_170 : memref<!tpu.dma_semaphore, #tpu.memory_space<semaphore_mem>>) src(%dma_wait3A_176 : memref<32x1024xf32, #tpu.memory_space<vmem>>) dst(%dma_wait3A_172 : memref<32x1024xf32, #tpu.memory_space<hbm>>)
    %dma_start3A_177 = arith.constant 1 : i32
    %dma_start3A_178 = arith.constant 1 : i32
    %dma_start3A_179 = arith.constant 0 : i32
    %dma_start3A_180 = arith.constant 0 : i32
    %dma_start3A_181 = tpu.memref_slice %arg4[%dma_start3A_177, %dma_start3A_179, %dma_start3A_180] : memref<2x32x1024xf32, #tpu.memory_space<vmem>> -> memref<1x32x1024xf32, #tpu.memory_space<vmem>>
    %dma_start3A_182 = tpu.memref_squeeze %dma_start3A_181 : memref<1x32x1024xf32, #tpu.memory_space<vmem>> -> memref<32x1024xf32, #tpu.memory_space<vmem>>
    %dma_start3A_183 = arith.constant 0 : i32
    %dma_start3A_184 = tpu.memref_slice %arg2[%add3A_10, %dma_start3A_183] : memref<16384x1024xf32, #tpu.memory_space<hbm>> -> memref<32x1024xf32, #tpu.memory_space<hbm>>
    %dma_start3A_185 = tpu.memref_slice %arg5[%dma_start3A_178] : memref<2x!tpu.dma_semaphore, #tpu.memory_space<semaphore_mem>> -> memref<1x!tpu.dma_semaphore, #tpu.memory_space<semaphore_mem>>
    %dma_start3A_186 = tpu.memref_squeeze %dma_start3A_185 : memref<1x!tpu.dma_semaphore, #tpu.memory_space<semaphore_mem>> -> memref<!tpu.dma_semaphore, #tpu.memory_space<semaphore_mem>>
    %dma_start3A_187 = arith.constant 0 : i32
    %dma_start3A_188 = arith.constant 0 : i32
    %dma_start3A_189 = tpu.memref_slice %arg4[%dma_start3A_177, %dma_start3A_187, %dma_start3A_188] : memref<2x32x1024xf32, #tpu.memory_space<vmem>> -> memref<1x32x1024xf32, #tpu.memory_space<vmem>>
    %dma_start3A_190 = tpu.memref_squeeze %dma_start3A_189 : memref<1x32x1024xf32, #tpu.memory_space<vmem>> -> memref<32x1024xf32, #tpu.memory_space<vmem>>
    %dma_start3A_191 = arith.constant 0 : i32
    %dma_start3A_192 = tpu.memref_slice %arg2[%add3A_10, %dma_start3A_191] : memref<16384x1024xf32, #tpu.memory_space<hbm>> -> memref<32x1024xf32, #tpu.memory_space<hbm>>
    tpu.enqueue_dma source(%dma_start3A_192 : memref<32x1024xf32, #tpu.memory_space<hbm>>) target(%dma_start3A_190 : memref<32x1024xf32, #tpu.memory_space<vmem>>) target_semaphore(%dma_start3A_186 : memref<!tpu.dma_semaphore, #tpu.memory_space<semaphore_mem>>)
    %dma_wait3A_193 = arith.constant 0 : i32
    %dma_wait3A_194 = arith.constant 0 : i32
    %dma_wait3A_195 = arith.constant 0 : i32
    %dma_wait3A_196 = arith.constant 0 : i32
    %dma_wait3A_197 = tpu.memref_slice %arg4[%dma_wait3A_193, %dma_wait3A_195, %dma_wait3A_196] : memref<2x32x1024xf32, #tpu.memory_space<vmem>> -> memref<1x32x1024xf32, #tpu.memory_space<vmem>>
    %dma_wait3A_198 = tpu.memref_squeeze %dma_wait3A_197 : memref<1x32x1024xf32, #tpu.memory_space<vmem>> -> memref<32x1024xf32, #tpu.memory_space<vmem>>
    %dma_wait3A_199 = arith.constant 0 : i32
    %dma_wait3A_200 = tpu.memref_slice %arg2[%add3A_8, %dma_wait3A_199] : memref<16384x1024xf32, #tpu.memory_space<hbm>> -> memref<32x1024xf32, #tpu.memory_space<hbm>>
    %dma_wait3A_201 = tpu.memref_slice %arg5[%dma_wait3A_194] : memref<2x!tpu.dma_semaphore, #tpu.memory_space<semaphore_mem>> -> memref<1x!tpu.dma_semaphore, #tpu.memory_space<semaphore_mem>>
    %dma_wait3A_202 = tpu.memref_squeeze %dma_wait3A_201 : memref<1x!tpu.dma_semaphore, #tpu.memory_space<semaphore_mem>> -> memref<!tpu.dma_semaphore, #tpu.memory_space<semaphore_mem>>
    %dma_wait3A_203 = arith.constant 0 : i32
    %dma_wait3A_204 = arith.constant 0 : i32
    %dma_wait3A_205 = tpu.memref_slice %arg4[%dma_wait3A_193, %dma_wait3A_203, %dma_wait3A_204] : memref<2x32x1024xf32, #tpu.memory_space<vmem>> -> memref<1x32x1024xf32, #tpu.memory_space<vmem>>
    %dma_wait3A_206 = tpu.memref_squeeze %dma_wait3A_205 : memref<1x32x1024xf32, #tpu.memory_space<vmem>> -> memref<32x1024xf32, #tpu.memory_space<vmem>>
    %dma_wait3A_207 = arith.constant 0 : i32
    %dma_wait3A_208 = tpu.memref_slice %arg2[%add3A_8, %dma_wait3A_207] : memref<16384x1024xf32, #tpu.memory_space<hbm>> -> memref<32x1024xf32, #tpu.memory_space<hbm>>
    tpu.wait_dma2 semaphore(%dma_wait3A_202 : memref<!tpu.dma_semaphore, #tpu.memory_space<semaphore_mem>>) src(%dma_wait3A_208 : memref<32x1024xf32, #tpu.memory_space<hbm>>) dst(%dma_wait3A_206 : memref<32x1024xf32, #tpu.memory_space<vmem>>)
    %dma_start3A_209 = arith.constant 0 : i32
    %dma_start3A_210 = arith.constant 0 : i32
    %dma_start3A_211 = arith.constant 0 : i32
    %dma_start3A_212 = arith.constant 0 : i32
    %dma_start3A_213 = tpu.memref_slice %arg4[%dma_start3A_209, %dma_start3A_211, %dma_start3A_212] : memref<2x32x1024xf32, #tpu.memory_space<vmem>> -> memref<1x32x1024xf32, #tpu.memory_space<vmem>>
    %dma_start3A_214 = tpu.memref_squeeze %dma_start3A_213 : memref<1x32x1024xf32, #tpu.memory_space<vmem>> -> memref<32x1024xf32, #tpu.memory_space<vmem>>
    %dma_start3A_215 = arith.constant 0 : i32
    %dma_start3A_216 = tpu.memref_slice %arg3[%add3A_8, %dma_start3A_215] : memref<16384x1024xf32, #tpu.memory_space<hbm>> -> memref<32x1024xf32, #tpu.memory_space<hbm>>
    %dma_start3A_217 = tpu.memref_slice %arg6[%dma_start3A_210] : memref<2x!tpu.dma_semaphore, #tpu.memory_space<semaphore_mem>> -> memref<1x!tpu.dma_semaphore, #tpu.memory_space<semaphore_mem>>
    %dma_start3A_218 = tpu.memref_squeeze %dma_start3A_217 : memref<1x!tpu.dma_semaphore, #tpu.memory_space<semaphore_mem>> -> memref<!tpu.dma_semaphore, #tpu.memory_space<semaphore_mem>>
    %dma_start3A_219 = arith.constant 0 : i32
    %dma_start3A_220 = tpu.memref_slice %arg3[%add3A_8, %dma_start3A_219] : memref<16384x1024xf32, #tpu.memory_space<hbm>> -> memref<32x1024xf32, #tpu.memory_space<hbm>>
    %dma_start3A_221 = arith.constant 0 : i32
    %dma_start3A_222 = arith.constant 0 : i32
    %dma_start3A_223 = tpu.memref_slice %arg4[%dma_start3A_209, %dma_start3A_221, %dma_start3A_222] : memref<2x32x1024xf32, #tpu.memory_space<vmem>> -> memref<1x32x1024xf32, #tpu.memory_space<vmem>>
    %dma_start3A_224 = tpu.memref_squeeze %dma_start3A_223 : memref<1x32x1024xf32, #tpu.memory_space<vmem>> -> memref<32x1024xf32, #tpu.memory_space<vmem>>
    tpu.enqueue_dma source(%dma_start3A_224 : memref<32x1024xf32, #tpu.memory_space<vmem>>) target(%dma_start3A_220 : memref<32x1024xf32, #tpu.memory_space<hbm>>) target_semaphore(%dma_start3A_218 : memref<!tpu.dma_semaphore, #tpu.memory_space<semaphore_mem>>)
    %dma_wait3A_225 = arith.constant 0 : i32
    %dma_wait3A_226 = arith.constant 0 : i32
    %dma_wait3A_227 = arith.constant 0 : i32
    %dma_wait3A_228 = arith.constant 0 : i32
    %dma_wait3A_229 = tpu.memref_slice %arg4[%dma_wait3A_225, %dma_wait3A_227, %dma_wait3A_228] : memref<2x32x1024xf32, #tpu.memory_space<vmem>> -> memref<1x32x1024xf32, #tpu.memory_space<vmem>>
    %dma_wait3A_230 = tpu.memref_squeeze %dma_wait3A_229 : memref<1x32x1024xf32, #tpu.memory_space<vmem>> -> memref<32x1024xf32, #tpu.memory_space<vmem>>
    %dma_wait3A_231 = arith.constant 0 : i32
    %dma_wait3A_232 = tpu.memref_slice %arg3[%add3A_8, %dma_wait3A_231] : memref<16384x1024xf32, #tpu.memory_space<hbm>> -> memref<32x1024xf32, #tpu.memory_space<hbm>>
    %dma_wait3A_233 = tpu.memref_slice %arg6[%dma_wait3A_226] : memref<2x!tpu.dma_semaphore, #tpu.memory_space<semaphore_mem>> -> memref<1x!tpu.dma_semaphore, #tpu.memory_space<semaphore_mem>>
    %dma_wait3A_234 = tpu.memref_squeeze %dma_wait3A_233 : memref<1x!tpu.dma_semaphore, #tpu.memory_space<semaphore_mem>> -> memref<!tpu.dma_semaphore, #tpu.memory_space<semaphore_mem>>
    %dma_wait3A_235 = arith.constant 0 : i32
    %dma_wait3A_236 = tpu.memref_slice %arg3[%add3A_8, %dma_wait3A_235] : memref<16384x1024xf32, #tpu.memory_space<hbm>> -> memref<32x1024xf32, #tpu.memory_space<hbm>>
    %dma_wait3A_237 = arith.constant 0 : i32
    %dma_wait3A_238 = arith.constant 0 : i32
    %dma_wait3A_239 = tpu.memref_slice %arg4[%dma_wait3A_225, %dma_wait3A_237, %dma_wait3A_238] : memref<2x32x1024xf32, #tpu.memory_space<vmem>> -> memref<1x32x1024xf32, #tpu.memory_space<vmem>>
    %dma_wait3A_240 = tpu.memref_squeeze %dma_wait3A_239 : memref<1x32x1024xf32, #tpu.memory_space<vmem>> -> memref<32x1024xf32, #tpu.memory_space<vmem>>
    tpu.wait_dma2 semaphore(%dma_wait3A_234 : memref<!tpu.dma_semaphore, #tpu.memory_space<semaphore_mem>>) src(%dma_wait3A_240 : memref<32x1024xf32, #tpu.memory_space<vmem>>) dst(%dma_wait3A_236 : memref<32x1024xf32, #tpu.memory_space<hbm>>)
    %dma_start3A_241 = arith.constant 0 : i32
    %dma_start3A_242 = arith.constant 0 : i32
    %dma_start3A_243 = arith.constant 0 : i32
    %dma_start3A_244 = arith.constant 0 : i32
    %dma_start3A_245 = tpu.memref_slice %arg4[%dma_start3A_241, %dma_start3A_243, %dma_start3A_244] : memref<2x32x1024xf32, #tpu.memory_space<vmem>> -> memref<1x32x1024xf32, #tpu.memory_space<vmem>>
    %dma_start3A_246 = tpu.memref_squeeze %dma_start3A_245 : memref<1x32x1024xf32, #tpu.memory_space<vmem>> -> memref<32x1024xf32, #tpu.memory_space<vmem>>
    %dma_start3A_247 = arith.constant 0 : i32
    %dma_start3A_248 = tpu.memref_slice %arg2[%add3A_12, %dma_start3A_247] : memref<16384x1024xf32, #tpu.memory_space<hbm>> -> memref<32x1024xf32, #tpu.memory_space<hbm>>
    %dma_start3A_249 = tpu.memref_slice %arg5[%dma_start3A_242] : memref<2x!tpu.dma_semaphore, #tpu.memory_space<semaphore_mem>> -> memref<1x!tpu.dma_semaphore, #tpu.memory_space<semaphore_mem>>
    %dma_start3A_250 = tpu.memref_squeeze %dma_start3A_249 : memref<1x!tpu.dma_semaphore, #tpu.memory_space<semaphore_mem>> -> memref<!tpu.dma_semaphore, #tpu.memory_space<semaphore_mem>>
    %dma_start3A_251 = arith.constant 0 : i32
    %dma_start3A_252 = arith.constant 0 : i32
    %dma_start3A_253 = tpu.memref_slice %arg4[%dma_start3A_241, %dma_start3A_251, %dma_start3A_252] : memref<2x32x1024xf32, #tpu.memory_space<vmem>> -> memref<1x32x1024xf32, #tpu.memory_space<vmem>>
    %dma_start3A_254 = tpu.memref_squeeze %dma_start3A_253 : memref<1x32x1024xf32, #tpu.memory_space<vmem>> -> memref<32x1024xf32, #tpu.memory_space<vmem>>
    %dma_start3A_255 = arith.constant 0 : i32
    %dma_start3A_256 = tpu.memref_slice %arg2[%add3A_12, %dma_start3A_255] : memref<16384x1024xf32, #tpu.memory_space<hbm>> -> memref<32x1024xf32, #tpu.memory_space<hbm>>
    tpu.enqueue_dma source(%dma_start3A_256 : memref<32x1024xf32, #tpu.memory_space<hbm>>) target(%dma_start3A_254 : memref<32x1024xf32, #tpu.memory_space<vmem>>) target_semaphore(%dma_start3A_250 : memref<!tpu.dma_semaphore, #tpu.memory_space<semaphore_mem>>)
    %dma_wait3A_257 = arith.constant 1 : i32
    %dma_wait3A_258 = arith.constant 1 : i32
    %dma_wait3A_259 = arith.constant 0 : i32
    %dma_wait3A_260 = arith.constant 0 : i32
    %dma_wait3A_261 = tpu.memref_slice %arg4[%dma_wait3A_257, %dma_wait3A_259, %dma_wait3A_260] : memref<2x32x1024xf32, #tpu.memory_space<vmem>> -> memref<1x32x1024xf32, #tpu.memory_space<vmem>>
    %dma_wait3A_262 = tpu.memref_squeeze %dma_wait3A_261 : memref<1x32x1024xf32, #tpu.memory_space<vmem>> -> memref<32x1024xf32, #tpu.memory_space<vmem>>
    %dma_wait3A_263 = arith.constant 0 : i32
    %dma_wait3A_264 = tpu.memref_slice %arg2[%add3A_10, %dma_wait3A_263] : memref<16384x1024xf32, #tpu.memory_space<hbm>> -> memref<32x1024xf32, #tpu.memory_space<hbm>>
    %dma_wait3A_265 = tpu.memref_slice %arg5[%dma_wait3A_258] : memref<2x!tpu.dma_semaphore, #tpu.memory_space<semaphore_mem>> -> memref<1x!tpu.dma_semaphore, #tpu.memory_space<semaphore_mem>>
    %dma_wait3A_266 = tpu.memref_squeeze %dma_wait3A_265 : memref<1x!tpu.dma_semaphore, #tpu.memory_space<semaphore_mem>> -> memref<!tpu.dma_semaphore, #tpu.memory_space<semaphore_mem>>
    %dma_wait3A_267 = arith.constant 0 : i32
    %dma_wait3A_268 = arith.constant 0 : i32
    %dma_wait3A_269 = tpu.memref_slice %arg4[%dma_wait3A_257, %dma_wait3A_267, %dma_wait3A_268] : memref<2x32x1024xf32, #tpu.memory_space<vmem>> -> memref<1x32x1024xf32, #tpu.memory_space<vmem>>
    %dma_wait3A_270 = tpu.memref_squeeze %dma_wait3A_269 : memref<1x32x1024xf32, #tpu.memory_space<vmem>> -> memref<32x1024xf32, #tpu.memory_space<vmem>>
    %dma_wait3A_271 = arith.constant 0 : i32
    %dma_wait3A_272 = tpu.memref_slice %arg2[%add3A_10, %dma_wait3A_271] : memref<16384x1024xf32, #tpu.memory_space<hbm>> -> memref<32x1024xf32, #tpu.memory_space<hbm>>
    tpu.wait_dma2 semaphore(%dma_wait3A_266 : memref<!tpu.dma_semaphore, #tpu.memory_space<semaphore_mem>>) src(%dma_wait3A_272 : memref<32x1024xf32, #tpu.memory_space<hbm>>) dst(%dma_wait3A_270 : memref<32x1024xf32, #tpu.memory_space<vmem>>)
    %dma_start3A_273 = arith.constant 1 : i32
    %dma_start3A_274 = arith.constant 1 : i32
    %dma_start3A_275 = arith.constant 0 : i32
    %dma_start3A_276 = arith.constant 0 : i32
    %dma_start3A_277 = tpu.memref_slice %arg4[%dma_start3A_273, %dma_start3A_275, %dma_start3A_276] : memref<2x32x1024xf32, #tpu.memory_space<vmem>> -> memref<1x32x1024xf32, #tpu.memory_space<vmem>>
    %dma_start3A_278 = tpu.memref_squeeze %dma_start3A_277 : memref<1x32x1024xf32, #tpu.memory_space<vmem>> -> memref<32x1024xf32, #tpu.memory_space<vmem>>
    %dma_start3A_279 = arith.constant 0 : i32
    %dma_start3A_280 = tpu.memref_slice %arg3[%add3A_10, %dma_start3A_279] : memref<16384x1024xf32, #tpu.memory_space<hbm>> -> memref<32x1024xf32, #tpu.memory_space<hbm>>
    %dma_start3A_281 = tpu.memref_slice %arg6[%dma_start3A_274] : memref<2x!tpu.dma_semaphore, #tpu.memory_space<semaphore_mem>> -> memref<1x!tpu.dma_semaphore, #tpu.memory_space<semaphore_mem>>
    %dma_start3A_282 = tpu.memref_squeeze %dma_start3A_281 : memref<1x!tpu.dma_semaphore, #tpu.memory_space<semaphore_mem>> -> memref<!tpu.dma_semaphore, #tpu.memory_space<semaphore_mem>>
    %dma_start3A_283 = arith.constant 0 : i32
    %dma_start3A_284 = tpu.memref_slice %arg3[%add3A_10, %dma_start3A_283] : memref<16384x1024xf32, #tpu.memory_space<hbm>> -> memref<32x1024xf32, #tpu.memory_space<hbm>>
    %dma_start3A_285 = arith.constant 0 : i32
    %dma_start3A_286 = arith.constant 0 : i32
    %dma_start3A_287 = tpu.memref_slice %arg4[%dma_start3A_273, %dma_start3A_285, %dma_start3A_286] : memref<2x32x1024xf32, #tpu.memory_space<vmem>> -> memref<1x32x1024xf32, #tpu.memory_space<vmem>>
    %dma_start3A_288 = tpu.memref_squeeze %dma_start3A_287 : memref<1x32x1024xf32, #tpu.memory_space<vmem>> -> memref<32x1024xf32, #tpu.memory_space<vmem>>
    tpu.enqueue_dma source(%dma_start3A_288 : memref<32x1024xf32, #tpu.memory_space<vmem>>) target(%dma_start3A_284 : memref<32x1024xf32, #tpu.memory_space<hbm>>) target_semaphore(%dma_start3A_282 : memref<!tpu.dma_semaphore, #tpu.memory_space<semaphore_mem>>)
    %dma_wait3A_289 = arith.constant 1 : i32
    %dma_wait3A_290 = arith.constant 1 : i32
    %dma_wait3A_291 = arith.constant 0 : i32
    %dma_wait3A_292 = arith.constant 0 : i32
    %dma_wait3A_293 = tpu.memref_slice %arg4[%dma_wait3A_289, %dma_wait3A_291, %dma_wait3A_292] : memref<2x32x1024xf32, #tpu.memory_space<vmem>> -> memref<1x32x1024xf32, #tpu.memory_space<vmem>>
    %dma_wait3A_294 = tpu.memref_squeeze %dma_wait3A_293 : memref<1x32x1024xf32, #tpu.memory_space<vmem>> -> memref<32x1024xf32, #tpu.memory_space<vmem>>
    %dma_wait3A_295 = arith.constant 0 : i32
    %dma_wait3A_296 = tpu.memref_slice %arg3[%add3A_10, %dma_wait3A_295] : memref<16384x1024xf32, #tpu.memory_space<hbm>> -> memref<32x1024xf32, #tpu.memory_space<hbm>>
    %dma_wait3A_297 = tpu.memref_slice %arg6[%dma_wait3A_290] : memref<2x!tpu.dma_semaphore, #tpu.memory_space<semaphore_mem>> -> memref<1x!tpu.dma_semaphore, #tpu.memory_space<semaphore_mem>>
    %dma_wait3A_298 = tpu.memref_squeeze %dma_wait3A_297 : memref<1x!tpu.dma_semaphore, #tpu.memory_space<semaphore_mem>> -> memref<!tpu.dma_semaphore, #tpu.memory_space<semaphore_mem>>
    %dma_wait3A_299 = arith.constant 0 : i32
    %dma_wait3A_300 = tpu.memref_slice %arg3[%add3A_10, %dma_wait3A_299] : memref<16384x1024xf32, #tpu.memory_space<hbm>> -> memref<32x1024xf32, #tpu.memory_space<hbm>>
    %dma_wait3A_301 = arith.constant 0 : i32
    %dma_wait3A_302 = arith.constant 0 : i32
    %dma_wait3A_303 = tpu.memref_slice %arg4[%dma_wait3A_289, %dma_wait3A_301, %dma_wait3A_302] : memref<2x32x1024xf32, #tpu.memory_space<vmem>> -> memref<1x32x1024xf32, #tpu.memory_space<vmem>>
    %dma_wait3A_304 = tpu.memref_squeeze %dma_wait3A_303 : memref<1x32x1024xf32, #tpu.memory_space<vmem>> -> memref<32x1024xf32, #tpu.memory_space<vmem>>
    tpu.wait_dma2 semaphore(%dma_wait3A_298 : memref<!tpu.dma_semaphore, #tpu.memory_space<semaphore_mem>>) src(%dma_wait3A_304 : memref<32x1024xf32, #tpu.memory_space<vmem>>) dst(%dma_wait3A_300 : memref<32x1024xf32, #tpu.memory_space<hbm>>)
    %dma_start3A_305 = arith.constant 1 : i32
    %dma_start3A_306 = arith.constant 1 : i32
    %dma_start3A_307 = arith.constant 0 : i32
    %dma_start3A_308 = arith.constant 0 : i32
    %dma_start3A_309 = tpu.memref_slice %arg4[%dma_start3A_305, %dma_start3A_307, %dma_start3A_308] : memref<2x32x1024xf32, #tpu.memory_space<vmem>> -> memref<1x32x1024xf32, #tpu.memory_space<vmem>>
    %dma_start3A_310 = tpu.memref_squeeze %dma_start3A_309 : memref<1x32x1024xf32, #tpu.memory_space<vmem>> -> memref<32x1024xf32, #tpu.memory_space<vmem>>
    %dma_start3A_311 = arith.constant 0 : i32
    %dma_start3A_312 = tpu.memref_slice %arg2[%add3A_14, %dma_start3A_311] : memref<16384x1024xf32, #tpu.memory_space<hbm>> -> memref<32x1024xf32, #tpu.memory_space<hbm>>
    %dma_start3A_313 = tpu.memref_slice %arg5[%dma_start3A_306] : memref<2x!tpu.dma_semaphore, #tpu.memory_space<semaphore_mem>> -> memref<1x!tpu.dma_semaphore, #tpu.memory_space<semaphore_mem>>
    %dma_start3A_314 = tpu.memref_squeeze %dma_start3A_313 : memref<1x!tpu.dma_semaphore, #tpu.memory_space<semaphore_mem>> -> memref<!tpu.dma_semaphore, #tpu.memory_space<semaphore_mem>>
    %dma_start3A_315 = arith.constant 0 : i32
    %dma_start3A_316 = arith.constant 0 : i32
    %dma_start3A_317 = tpu.memref_slice %arg4[%dma_start3A_305, %dma_start3A_315, %dma_start3A_316] : memref<2x32x1024xf32, #tpu.memory_space<vmem>> -> memref<1x32x1024xf32, #tpu.memory_space<vmem>>
    %dma_start3A_318 = tpu.memref_squeeze %dma_start3A_317 : memref<1x32x1024xf32, #tpu.memory_space<vmem>> -> memref<32x1024xf32, #tpu.memory_space<vmem>>
    %dma_start3A_319 = arith.constant 0 : i32
    %dma_start3A_320 = tpu.memref_slice %arg2[%add3A_14, %dma_start3A_319] : memref<16384x1024xf32, #tpu.memory_space<hbm>> -> memref<32x1024xf32, #tpu.memory_space<hbm>>
    tpu.enqueue_dma source(%dma_start3A_320 : memref<32x1024xf32, #tpu.memory_space<hbm>>) target(%dma_start3A_318 : memref<32x1024xf32, #tpu.memory_space<vmem>>) target_semaphore(%dma_start3A_314 : memref<!tpu.dma_semaphore, #tpu.memory_space<semaphore_mem>>)
    %dma_wait3A_321 = arith.constant 0 : i32
    %dma_wait3A_322 = arith.constant 0 : i32
    %dma_wait3A_323 = arith.constant 0 : i32
    %dma_wait3A_324 = arith.constant 0 : i32
    %dma_wait3A_325 = tpu.memref_slice %arg4[%dma_wait3A_321, %dma_wait3A_323, %dma_wait3A_324] : memref<2x32x1024xf32, #tpu.memory_space<vmem>> -> memref<1x32x1024xf32, #tpu.memory_space<vmem>>
    %dma_wait3A_326 = tpu.memref_squeeze %dma_wait3A_325 : memref<1x32x1024xf32, #tpu.memory_space<vmem>> -> memref<32x1024xf32, #tpu.memory_space<vmem>>
    %dma_wait3A_327 = arith.constant 0 : i32
    %dma_wait3A_328 = tpu.memref_slice %arg2[%add3A_12, %dma_wait3A_327] : memref<16384x1024xf32, #tpu.memory_space<hbm>> -> memref<32x1024xf32, #tpu.memory_space<hbm>>
    %dma_wait3A_329 = tpu.memref_slice %arg5[%dma_wait3A_322] : memref<2x!tpu.dma_semaphore, #tpu.memory_space<semaphore_mem>> -> memref<1x!tpu.dma_semaphore, #tpu.memory_space<semaphore_mem>>
    %dma_wait3A_330 = tpu.memref_squeeze %dma_wait3A_329 : memref<1x!tpu.dma_semaphore, #tpu.memory_space<semaphore_mem>> -> memref<!tpu.dma_semaphore, #tpu.memory_space<semaphore_mem>>
    %dma_wait3A_331 = arith.constant 0 : i32
    %dma_wait3A_332 = arith.constant 0 : i32
    %dma_wait3A_333 = tpu.memref_slice %arg4[%dma_wait3A_321, %dma_wait3A_331, %dma_wait3A_332] : memref<2x32x1024xf32, #tpu.memory_space<vmem>> -> memref<1x32x1024xf32, #tpu.memory_space<vmem>>
    %dma_wait3A_334 = tpu.memref_squeeze %dma_wait3A_333 : memref<1x32x1024xf32, #tpu.memory_space<vmem>> -> memref<32x1024xf32, #tpu.memory_space<vmem>>
    %dma_wait3A_335 = arith.constant 0 : i32
    %dma_wait3A_336 = tpu.memref_slice %arg2[%add3A_12, %dma_wait3A_335] : memref<16384x1024xf32, #tpu.memory_space<hbm>> -> memref<32x1024xf32, #tpu.memory_space<hbm>>
    tpu.wait_dma2 semaphore(%dma_wait3A_330 : memref<!tpu.dma_semaphore, #tpu.memory_space<semaphore_mem>>) src(%dma_wait3A_336 : memref<32x1024xf32, #tpu.memory_space<hbm>>) dst(%dma_wait3A_334 : memref<32x1024xf32, #tpu.memory_space<vmem>>)
    %dma_start3A_337 = arith.constant 0 : i32
    %dma_start3A_338 = arith.constant 0 : i32
    %dma_start3A_339 = arith.constant 0 : i32
    %dma_start3A_340 = arith.constant 0 : i32
    %dma_start3A_341 = tpu.memref_slice %arg4[%dma_start3A_337, %dma_start3A_339, %dma_start3A_340] : memref<2x32x1024xf32, #tpu.memory_space<vmem>> -> memref<1x32x1024xf32, #tpu.memory_space<vmem>>
    %dma_start3A_342 = tpu.memref_squeeze %dma_start3A_341 : memref<1x32x1024xf32, #tpu.memory_space<vmem>> -> memref<32x1024xf32, #tpu.memory_space<vmem>>
    %dma_start3A_343 = arith.constant 0 : i32
    %dma_start3A_344 = tpu.memref_slice %arg3[%add3A_12, %dma_start3A_343] : memref<16384x1024xf32, #tpu.memory_space<hbm>> -> memref<32x1024xf32, #tpu.memory_space<hbm>>
    %dma_start3A_345 = tpu.memref_slice %arg6[%dma_start3A_338] : memref<2x!tpu.dma_semaphore, #tpu.memory_space<semaphore_mem>> -> memref<1x!tpu.dma_semaphore, #tpu.memory_space<semaphore_mem>>
    %dma_start3A_346 = tpu.memref_squeeze %dma_start3A_345 : memref<1x!tpu.dma_semaphore, #tpu.memory_space<semaphore_mem>> -> memref<!tpu.dma_semaphore, #tpu.memory_space<semaphore_mem>>
    %dma_start3A_347 = arith.constant 0 : i32
    %dma_start3A_348 = tpu.memref_slice %arg3[%add3A_12, %dma_start3A_347] : memref<16384x1024xf32, #tpu.memory_space<hbm>> -> memref<32x1024xf32, #tpu.memory_space<hbm>>
    %dma_start3A_349 = arith.constant 0 : i32
    %dma_start3A_350 = arith.constant 0 : i32
    %dma_start3A_351 = tpu.memref_slice %arg4[%dma_start3A_337, %dma_start3A_349, %dma_start3A_350] : memref<2x32x1024xf32, #tpu.memory_space<vmem>> -> memref<1x32x1024xf32, #tpu.memory_space<vmem>>
    %dma_start3A_352 = tpu.memref_squeeze %dma_start3A_351 : memref<1x32x1024xf32, #tpu.memory_space<vmem>> -> memref<32x1024xf32, #tpu.memory_space<vmem>>
    tpu.enqueue_dma source(%dma_start3A_352 : memref<32x1024xf32, #tpu.memory_space<vmem>>) target(%dma_start3A_348 : memref<32x1024xf32, #tpu.memory_space<hbm>>) target_semaphore(%dma_start3A_346 : memref<!tpu.dma_semaphore, #tpu.memory_space<semaphore_mem>>)
    %dma_wait3A_353 = arith.constant 0 : i32
    %dma_wait3A_354 = arith.constant 0 : i32
    %dma_wait3A_355 = arith.constant 0 : i32
    %dma_wait3A_356 = arith.constant 0 : i32
    %dma_wait3A_357 = tpu.memref_slice %arg4[%dma_wait3A_353, %dma_wait3A_355, %dma_wait3A_356] : memref<2x32x1024xf32, #tpu.memory_space<vmem>> -> memref<1x32x1024xf32, #tpu.memory_space<vmem>>
    %dma_wait3A_358 = tpu.memref_squeeze %dma_wait3A_357 : memref<1x32x1024xf32, #tpu.memory_space<vmem>> -> memref<32x1024xf32, #tpu.memory_space<vmem>>
    %dma_wait3A_359 = arith.constant 0 : i32
    %dma_wait3A_360 = tpu.memref_slice %arg3[%add3A_12, %dma_wait3A_359] : memref<16384x1024xf32, #tpu.memory_space<hbm>> -> memref<32x1024xf32, #tpu.memory_space<hbm>>
    %dma_wait3A_361 = tpu.memref_slice %arg6[%dma_wait3A_354] : memref<2x!tpu.dma_semaphore, #tpu.memory_space<semaphore_mem>> -> memref<1x!tpu.dma_semaphore, #tpu.memory_space<semaphore_mem>>
    %dma_wait3A_362 = tpu.memref_squeeze %dma_wait3A_361 : memref<1x!tpu.dma_semaphore, #tpu.memory_space<semaphore_mem>> -> memref<!tpu.dma_semaphore, #tpu.memory_space<semaphore_mem>>
    %dma_wait3A_363 = arith.constant 0 : i32
    %dma_wait3A_364 = tpu.memref_slice %arg3[%add3A_12, %dma_wait3A_363] : memref<16384x1024xf32, #tpu.memory_space<hbm>> -> memref<32x1024xf32, #tpu.memory_space<hbm>>
    %dma_wait3A_365 = arith.constant 0 : i32
    %dma_wait3A_366 = arith.constant 0 : i32
    %dma_wait3A_367 = tpu.memref_slice %arg4[%dma_wait3A_353, %dma_wait3A_365, %dma_wait3A_366] : memref<2x32x1024xf32, #tpu.memory_space<vmem>> -> memref<1x32x1024xf32, #tpu.memory_space<vmem>>
    %dma_wait3A_368 = tpu.memref_squeeze %dma_wait3A_367 : memref<1x32x1024xf32, #tpu.memory_space<vmem>> -> memref<32x1024xf32, #tpu.memory_space<vmem>>
    tpu.wait_dma2 semaphore(%dma_wait3A_362 : memref<!tpu.dma_semaphore, #tpu.memory_space<semaphore_mem>>) src(%dma_wait3A_368 : memref<32x1024xf32, #tpu.memory_space<vmem>>) dst(%dma_wait3A_364 : memref<32x1024xf32, #tpu.memory_space<hbm>>)
    %dma_start3A_369 = arith.constant 0 : i32
    %dma_start3A_370 = arith.constant 0 : i32
    %dma_start3A_371 = arith.constant 0 : i32
    %dma_start3A_372 = arith.constant 0 : i32
    %dma_start3A_373 = tpu.memref_slice %arg4[%dma_start3A_369, %dma_start3A_371, %dma_start3A_372] : memref<2x32x1024xf32, #tpu.memory_space<vmem>> -> memref<1x32x1024xf32, #tpu.memory_space<vmem>>
    %dma_start3A_374 = tpu.memref_squeeze %dma_start3A_373 : memref<1x32x1024xf32, #tpu.memory_space<vmem>> -> memref<32x1024xf32, #tpu.memory_space<vmem>>
    %dma_start3A_375 = arith.constant 0 : i32
    %dma_start3A_376 = tpu.memref_slice %arg2[%add3A_16, %dma_start3A_375] : memref<16384x1024xf32, #tpu.memory_space<hbm>> -> memref<32x1024xf32, #tpu.memory_space<hbm>>
    %dma_start3A_377 = tpu.memref_slice %arg5[%dma_start3A_370] : memref<2x!tpu.dma_semaphore, #tpu.memory_space<semaphore_mem>> -> memref<1x!tpu.dma_semaphore, #tpu.memory_space<semaphore_mem>>
    %dma_start3A_378 = tpu.memref_squeeze %dma_start3A_377 : memref<1x!tpu.dma_semaphore, #tpu.memory_space<semaphore_mem>> -> memref<!tpu.dma_semaphore, #tpu.memory_space<semaphore_mem>>
    %dma_start3A_379 = arith.constant 0 : i32
    %dma_start3A_380 = arith.constant 0 : i32
    %dma_start3A_381 = tpu.memref_slice %arg4[%dma_start3A_369, %dma_start3A_379, %dma_start3A_380] : memref<2x32x1024xf32, #tpu.memory_space<vmem>> -> memref<1x32x1024xf32, #tpu.memory_space<vmem>>
    %dma_start3A_382 = tpu.memref_squeeze %dma_start3A_381 : memref<1x32x1024xf32, #tpu.memory_space<vmem>> -> memref<32x1024xf32, #tpu.memory_space<vmem>>
    %dma_start3A_383 = arith.constant 0 : i32
    %dma_start3A_384 = tpu.memref_slice %arg2[%add3A_16, %dma_start3A_383] : memref<16384x1024xf32, #tpu.memory_space<hbm>> -> memref<32x1024xf32, #tpu.memory_space<hbm>>
    tpu.enqueue_dma source(%dma_start3A_384 : memref<32x1024xf32, #tpu.memory_space<hbm>>) target(%dma_start3A_382 : memref<32x1024xf32, #tpu.memory_space<vmem>>) target_semaphore(%dma_start3A_378 : memref<!tpu.dma_semaphore, #tpu.memory_space<semaphore_mem>>)
    %dma_wait3A_385 = arith.constant 1 : i32
    %dma_wait3A_386 = arith.constant 1 : i32
    %dma_wait3A_387 = arith.constant 0 : i32
    %dma_wait3A_388 = arith.constant 0 : i32
    %dma_wait3A_389 = tpu.memref_slice %arg4[%dma_wait3A_385, %dma_wait3A_387, %dma_wait3A_388] : memref<2x32x1024xf32, #tpu.memory_space<vmem>> -> memref<1x32x1024xf32, #tpu.memory_space<vmem>>
    %dma_wait3A_390 = tpu.memref_squeeze %dma_wait3A_389 : memref<1x32x1024xf32, #tpu.memory_space<vmem>> -> memref<32x1024xf32, #tpu.memory_space<vmem>>
    %dma_wait3A_391 = arith.constant 0 : i32
    %dma_wait3A_392 = tpu.memref_slice %arg2[%add3A_14, %dma_wait3A_391] : memref<16384x1024xf32, #tpu.memory_space<hbm>> -> memref<32x1024xf32, #tpu.memory_space<hbm>>
    %dma_wait3A_393 = tpu.memref_slice %arg5[%dma_wait3A_386] : memref<2x!tpu.dma_semaphore, #tpu.memory_space<semaphore_mem>> -> memref<1x!tpu.dma_semaphore, #tpu.memory_space<semaphore_mem>>
    %dma_wait3A_394 = tpu.memref_squeeze %dma_wait3A_393 : memref<1x!tpu.dma_semaphore, #tpu.memory_space<semaphore_mem>> -> memref<!tpu.dma_semaphore, #tpu.memory_space<semaphore_mem>>
    %dma_wait3A_395 = arith.constant 0 : i32
    %dma_wait3A_396 = arith.constant 0 : i32
    %dma_wait3A_397 = tpu.memref_slice %arg4[%dma_wait3A_385, %dma_wait3A_395, %dma_wait3A_396] : memref<2x32x1024xf32, #tpu.memory_space<vmem>> -> memref<1x32x1024xf32, #tpu.memory_space<vmem>>
    %dma_wait3A_398 = tpu.memref_squeeze %dma_wait3A_397 : memref<1x32x1024xf32, #tpu.memory_space<vmem>> -> memref<32x1024xf32, #tpu.memory_space<vmem>>
    %dma_wait3A_399 = arith.constant 0 : i32
    %dma_wait3A_400 = tpu.memref_slice %arg2[%add3A_14, %dma_wait3A_399] : memref<16384x1024xf32, #tpu.memory_space<hbm>> -> memref<32x1024xf32, #tpu.memory_space<hbm>>
    tpu.wait_dma2 semaphore(%dma_wait3A_394 : memref<!tpu.dma_semaphore, #tpu.memory_space<semaphore_mem>>) src(%dma_wait3A_400 : memref<32x1024xf32, #tpu.memory_space<hbm>>) dst(%dma_wait3A_398 : memref<32x1024xf32, #tpu.memory_space<vmem>>)
    %dma_start3A_401 = arith.constant 1 : i32
    %dma_start3A_402 = arith.constant 1 : i32
    %dma_start3A_403 = arith.constant 0 : i32
    %dma_start3A_404 = arith.constant 0 : i32
    %dma_start3A_405 = tpu.memref_slice %arg4[%dma_start3A_401, %dma_start3A_403, %dma_start3A_404] : memref<2x32x1024xf32, #tpu.memory_space<vmem>> -> memref<1x32x1024xf32, #tpu.memory_space<vmem>>
    %dma_start3A_406 = tpu.memref_squeeze %dma_start3A_405 : memref<1x32x1024xf32, #tpu.memory_space<vmem>> -> memref<32x1024xf32, #tpu.memory_space<vmem>>
    %dma_start3A_407 = arith.constant 0 : i32
    %dma_start3A_408 = tpu.memref_slice %arg3[%add3A_14, %dma_start3A_407] : memref<16384x1024xf32, #tpu.memory_space<hbm>> -> memref<32x1024xf32, #tpu.memory_space<hbm>>
    %dma_start3A_409 = tpu.memref_slice %arg6[%dma_start3A_402] : memref<2x!tpu.dma_semaphore, #tpu.memory_space<semaphore_mem>> -> memref<1x!tpu.dma_semaphore, #tpu.memory_space<semaphore_mem>>
    %dma_start3A_410 = tpu.memref_squeeze %dma_start3A_409 : memref<1x!tpu.dma_semaphore, #tpu.memory_space<semaphore_mem>> -> memref<!tpu.dma_semaphore, #tpu.memory_space<semaphore_mem>>
    %dma_start3A_411 = arith.constant 0 : i32
    %dma_start3A_412 = tpu.memref_slice %arg3[%add3A_14, %dma_start3A_411] : memref<16384x1024xf32, #tpu.memory_space<hbm>> -> memref<32x1024xf32, #tpu.memory_space<hbm>>
    %dma_start3A_413 = arith.constant 0 : i32
    %dma_start3A_414 = arith.constant 0 : i32
    %dma_start3A_415 = tpu.memref_slice %arg4[%dma_start3A_401, %dma_start3A_413, %dma_start3A_414] : memref<2x32x1024xf32, #tpu.memory_space<vmem>> -> memref<1x32x1024xf32, #tpu.memory_space<vmem>>
    %dma_start3A_416 = tpu.memref_squeeze %dma_start3A_415 : memref<1x32x1024xf32, #tpu.memory_space<vmem>> -> memref<32x1024xf32, #tpu.memory_space<vmem>>
    tpu.enqueue_dma source(%dma_start3A_416 : memref<32x1024xf32, #tpu.memory_space<vmem>>) target(%dma_start3A_412 : memref<32x1024xf32, #tpu.memory_space<hbm>>) target_semaphore(%dma_start3A_410 : memref<!tpu.dma_semaphore, #tpu.memory_space<semaphore_mem>>)
    %dma_wait3A_417 = arith.constant 1 : i32
    %dma_wait3A_418 = arith.constant 1 : i32
    %dma_wait3A_419 = arith.constant 0 : i32
    %dma_wait3A_420 = arith.constant 0 : i32
    %dma_wait3A_421 = tpu.memref_slice %arg4[%dma_wait3A_417, %dma_wait3A_419, %dma_wait3A_420] : memref<2x32x1024xf32, #tpu.memory_space<vmem>> -> memref<1x32x1024xf32, #tpu.memory_space<vmem>>
    %dma_wait3A_422 = tpu.memref_squeeze %dma_wait3A_421 : memref<1x32x1024xf32, #tpu.memory_space<vmem>> -> memref<32x1024xf32, #tpu.memory_space<vmem>>
    %dma_wait3A_423 = arith.constant 0 : i32
    %dma_wait3A_424 = tpu.memref_slice %arg3[%add3A_14, %dma_wait3A_423] : memref<16384x1024xf32, #tpu.memory_space<hbm>> -> memref<32x1024xf32, #tpu.memory_space<hbm>>
    %dma_wait3A_425 = tpu.memref_slice %arg6[%dma_wait3A_418] : memref<2x!tpu.dma_semaphore, #tpu.memory_space<semaphore_mem>> -> memref<1x!tpu.dma_semaphore, #tpu.memory_space<semaphore_mem>>
    %dma_wait3A_426 = tpu.memref_squeeze %dma_wait3A_425 : memref<1x!tpu.dma_semaphore, #tpu.memory_space<semaphore_mem>> -> memref<!tpu.dma_semaphore, #tpu.memory_space<semaphore_mem>>
    %dma_wait3A_427 = arith.constant 0 : i32
    %dma_wait3A_428 = tpu.memref_slice %arg3[%add3A_14, %dma_wait3A_427] : memref<16384x1024xf32, #tpu.memory_space<hbm>> -> memref<32x1024xf32, #tpu.memory_space<hbm>>
    %dma_wait3A_429 = arith.constant 0 : i32
    %dma_wait3A_430 = arith.constant 0 : i32
    %dma_wait3A_431 = tpu.memref_slice %arg4[%dma_wait3A_417, %dma_wait3A_429, %dma_wait3A_430] : memref<2x32x1024xf32, #tpu.memory_space<vmem>> -> memref<1x32x1024xf32, #tpu.memory_space<vmem>>
    %dma_wait3A_432 = tpu.memref_squeeze %dma_wait3A_431 : memref<1x32x1024xf32, #tpu.memory_space<vmem>> -> memref<32x1024xf32, #tpu.memory_space<vmem>>
    tpu.wait_dma2 semaphore(%dma_wait3A_426 : memref<!tpu.dma_semaphore, #tpu.memory_space<semaphore_mem>>) src(%dma_wait3A_432 : memref<32x1024xf32, #tpu.memory_space<vmem>>) dst(%dma_wait3A_428 : memref<32x1024xf32, #tpu.memory_space<hbm>>)
    %dma_start3A_433 = arith.constant 1 : i32
    %dma_start3A_434 = arith.constant 1 : i32
    %dma_start3A_435 = arith.constant 0 : i32
    %dma_start3A_436 = arith.constant 0 : i32
    %dma_start3A_437 = tpu.memref_slice %arg4[%dma_start3A_433, %dma_start3A_435, %dma_start3A_436] : memref<2x32x1024xf32, #tpu.memory_space<vmem>> -> memref<1x32x1024xf32, #tpu.memory_space<vmem>>
    %dma_start3A_438 = tpu.memref_squeeze %dma_start3A_437 : memref<1x32x1024xf32, #tpu.memory_space<vmem>> -> memref<32x1024xf32, #tpu.memory_space<vmem>>
    %dma_start3A_439 = arith.constant 0 : i32
    %dma_start3A_440 = tpu.memref_slice %arg2[%add3A_18, %dma_start3A_439] : memref<16384x1024xf32, #tpu.memory_space<hbm>> -> memref<32x1024xf32, #tpu.memory_space<hbm>>
    %dma_start3A_441 = tpu.memref_slice %arg5[%dma_start3A_434] : memref<2x!tpu.dma_semaphore, #tpu.memory_space<semaphore_mem>> -> memref<1x!tpu.dma_semaphore, #tpu.memory_space<semaphore_mem>>
    %dma_start3A_442 = tpu.memref_squeeze %dma_start3A_441 : memref<1x!tpu.dma_semaphore, #tpu.memory_space<semaphore_mem>> -> memref<!tpu.dma_semaphore, #tpu.memory_space<semaphore_mem>>
    %dma_start3A_443 = arith.constant 0 : i32
    %dma_start3A_444 = arith.constant 0 : i32
    %dma_start3A_445 = tpu.memref_slice %arg4[%dma_start3A_433, %dma_start3A_443, %dma_start3A_444] : memref<2x32x1024xf32, #tpu.memory_space<vmem>> -> memref<1x32x1024xf32, #tpu.memory_space<vmem>>
    %dma_start3A_446 = tpu.memref_squeeze %dma_start3A_445 : memref<1x32x1024xf32, #tpu.memory_space<vmem>> -> memref<32x1024xf32, #tpu.memory_space<vmem>>
    %dma_start3A_447 = arith.constant 0 : i32
    %dma_start3A_448 = tpu.memref_slice %arg2[%add3A_18, %dma_start3A_447] : memref<16384x1024xf32, #tpu.memory_space<hbm>> -> memref<32x1024xf32, #tpu.memory_space<hbm>>
    tpu.enqueue_dma source(%dma_start3A_448 : memref<32x1024xf32, #tpu.memory_space<hbm>>) target(%dma_start3A_446 : memref<32x1024xf32, #tpu.memory_space<vmem>>) target_semaphore(%dma_start3A_442 : memref<!tpu.dma_semaphore, #tpu.memory_space<semaphore_mem>>)
    %dma_wait3A_449 = arith.constant 0 : i32
    %dma_wait3A_450 = arith.constant 0 : i32
    %dma_wait3A_451 = arith.constant 0 : i32
    %dma_wait3A_452 = arith.constant 0 : i32
    %dma_wait3A_453 = tpu.memref_slice %arg4[%dma_wait3A_449, %dma_wait3A_451, %dma_wait3A_452] : memref<2x32x1024xf32, #tpu.memory_space<vmem>> -> memref<1x32x1024xf32, #tpu.memory_space<vmem>>
    %dma_wait3A_454 = tpu.memref_squeeze %dma_wait3A_453 : memref<1x32x1024xf32, #tpu.memory_space<vmem>> -> memref<32x1024xf32, #tpu.memory_space<vmem>>
    %dma_wait3A_455 = arith.constant 0 : i32
    %dma_wait3A_456 = tpu.memref_slice %arg2[%add3A_16, %dma_wait3A_455] : memref<16384x1024xf32, #tpu.memory_space<hbm>> -> memref<32x1024xf32, #tpu.memory_space<hbm>>
    %dma_wait3A_457 = tpu.memref_slice %arg5[%dma_wait3A_450] : memref<2x!tpu.dma_semaphore, #tpu.memory_space<semaphore_mem>> -> memref<1x!tpu.dma_semaphore, #tpu.memory_space<semaphore_mem>>
    %dma_wait3A_458 = tpu.memref_squeeze %dma_wait3A_457 : memref<1x!tpu.dma_semaphore, #tpu.memory_space<semaphore_mem>> -> memref<!tpu.dma_semaphore, #tpu.memory_space<semaphore_mem>>
    %dma_wait3A_459 = arith.constant 0 : i32
    %dma_wait3A_460 = arith.constant 0 : i32
    %dma_wait3A_461 = tpu.memref_slice %arg4[%dma_wait3A_449, %dma_wait3A_459, %dma_wait3A_460] : memref<2x32x1024xf32, #tpu.memory_space<vmem>> -> memref<1x32x1024xf32, #tpu.memory_space<vmem>>
    %dma_wait3A_462 = tpu.memref_squeeze %dma_wait3A_461 : memref<1x32x1024xf32, #tpu.memory_space<vmem>> -> memref<32x1024xf32, #tpu.memory_space<vmem>>
    %dma_wait3A_463 = arith.constant 0 : i32
    %dma_wait3A_464 = tpu.memref_slice %arg2[%add3A_16, %dma_wait3A_463] : memref<16384x1024xf32, #tpu.memory_space<hbm>> -> memref<32x1024xf32, #tpu.memory_space<hbm>>
    tpu.wait_dma2 semaphore(%dma_wait3A_458 : memref<!tpu.dma_semaphore, #tpu.memory_space<semaphore_mem>>) src(%dma_wait3A_464 : memref<32x1024xf32, #tpu.memory_space<hbm>>) dst(%dma_wait3A_462 : memref<32x1024xf32, #tpu.memory_space<vmem>>)
    %dma_start3A_465 = arith.constant 0 : i32
    %dma_start3A_466 = arith.constant 0 : i32
    %dma_start3A_467 = arith.constant 0 : i32
    %dma_start3A_468 = arith.constant 0 : i32
    %dma_start3A_469 = tpu.memref_slice %arg4[%dma_start3A_465, %dma_start3A_467, %dma_start3A_468] : memref<2x32x1024xf32, #tpu.memory_space<vmem>> -> memref<1x32x1024xf32, #tpu.memory_space<vmem>>
    %dma_start3A_470 = tpu.memref_squeeze %dma_start3A_469 : memref<1x32x1024xf32, #tpu.memory_space<vmem>> -> memref<32x1024xf32, #tpu.memory_space<vmem>>
    %dma_start3A_471 = arith.constant 0 : i32
    %dma_start3A_472 = tpu.memref_slice %arg3[%add3A_16, %dma_start3A_471] : memref<16384x1024xf32, #tpu.memory_space<hbm>> -> memref<32x1024xf32, #tpu.memory_space<hbm>>
    %dma_start3A_473 = tpu.memref_slice %arg6[%dma_start3A_466] : memref<2x!tpu.dma_semaphore, #tpu.memory_space<semaphore_mem>> -> memref<1x!tpu.dma_semaphore, #tpu.memory_space<semaphore_mem>>
    %dma_start3A_474 = tpu.memref_squeeze %dma_start3A_473 : memref<1x!tpu.dma_semaphore, #tpu.memory_space<semaphore_mem>> -> memref<!tpu.dma_semaphore, #tpu.memory_space<semaphore_mem>>
    %dma_start3A_475 = arith.constant 0 : i32
    %dma_start3A_476 = tpu.memref_slice %arg3[%add3A_16, %dma_start3A_475] : memref<16384x1024xf32, #tpu.memory_space<hbm>> -> memref<32x1024xf32, #tpu.memory_space<hbm>>
    %dma_start3A_477 = arith.constant 0 : i32
    %dma_start3A_478 = arith.constant 0 : i32
    %dma_start3A_479 = tpu.memref_slice %arg4[%dma_start3A_465, %dma_start3A_477, %dma_start3A_478] : memref<2x32x1024xf32, #tpu.memory_space<vmem>> -> memref<1x32x1024xf32, #tpu.memory_space<vmem>>
    %dma_start3A_480 = tpu.memref_squeeze %dma_start3A_479 : memref<1x32x1024xf32, #tpu.memory_space<vmem>> -> memref<32x1024xf32, #tpu.memory_space<vmem>>
    tpu.enqueue_dma source(%dma_start3A_480 : memref<32x1024xf32, #tpu.memory_space<vmem>>) target(%dma_start3A_476 : memref<32x1024xf32, #tpu.memory_space<hbm>>) target_semaphore(%dma_start3A_474 : memref<!tpu.dma_semaphore, #tpu.memory_space<semaphore_mem>>)
    %dma_wait3A_481 = arith.constant 0 : i32
    %dma_wait3A_482 = arith.constant 0 : i32
    %dma_wait3A_483 = arith.constant 0 : i32
    %dma_wait3A_484 = arith.constant 0 : i32
    %dma_wait3A_485 = tpu.memref_slice %arg4[%dma_wait3A_481, %dma_wait3A_483, %dma_wait3A_484] : memref<2x32x1024xf32, #tpu.memory_space<vmem>> -> memref<1x32x1024xf32, #tpu.memory_space<vmem>>
    %dma_wait3A_486 = tpu.memref_squeeze %dma_wait3A_485 : memref<1x32x1024xf32, #tpu.memory_space<vmem>> -> memref<32x1024xf32, #tpu.memory_space<vmem>>
    %dma_wait3A_487 = arith.constant 0 : i32
    %dma_wait3A_488 = tpu.memref_slice %arg3[%add3A_16, %dma_wait3A_487] : memref<16384x1024xf32, #tpu.memory_space<hbm>> -> memref<32x1024xf32, #tpu.memory_space<hbm>>
    %dma_wait3A_489 = tpu.memref_slice %arg6[%dma_wait3A_482] : memref<2x!tpu.dma_semaphore, #tpu.memory_space<semaphore_mem>> -> memref<1x!tpu.dma_semaphore, #tpu.memory_space<semaphore_mem>>
    %dma_wait3A_490 = tpu.memref_squeeze %dma_wait3A_489 : memref<1x!tpu.dma_semaphore, #tpu.memory_space<semaphore_mem>> -> memref<!tpu.dma_semaphore, #tpu.memory_space<semaphore_mem>>
    %dma_wait3A_491 = arith.constant 0 : i32
    %dma_wait3A_492 = tpu.memref_slice %arg3[%add3A_16, %dma_wait3A_491] : memref<16384x1024xf32, #tpu.memory_space<hbm>> -> memref<32x1024xf32, #tpu.memory_space<hbm>>
    %dma_wait3A_493 = arith.constant 0 : i32
    %dma_wait3A_494 = arith.constant 0 : i32
    %dma_wait3A_495 = tpu.memref_slice %arg4[%dma_wait3A_481, %dma_wait3A_493, %dma_wait3A_494] : memref<2x32x1024xf32, #tpu.memory_space<vmem>> -> memref<1x32x1024xf32, #tpu.memory_space<vmem>>
    %dma_wait3A_496 = tpu.memref_squeeze %dma_wait3A_495 : memref<1x32x1024xf32, #tpu.memory_space<vmem>> -> memref<32x1024xf32, #tpu.memory_space<vmem>>
    tpu.wait_dma2 semaphore(%dma_wait3A_490 : memref<!tpu.dma_semaphore, #tpu.memory_space<semaphore_mem>>) src(%dma_wait3A_496 : memref<32x1024xf32, #tpu.memory_space<vmem>>) dst(%dma_wait3A_492 : memref<32x1024xf32, #tpu.memory_space<hbm>>)
    %dma_start3A_497 = arith.constant 0 : i32
    %dma_start3A_498 = arith.constant 0 : i32
    %dma_start3A_499 = arith.constant 0 : i32
    %dma_start3A_500 = arith.constant 0 : i32
    %dma_start3A_501 = tpu.memref_slice %arg4[%dma_start3A_497, %dma_start3A_499, %dma_start3A_500] : memref<2x32x1024xf32, #tpu.memory_space<vmem>> -> memref<1x32x1024xf32, #tpu.memory_space<vmem>>
    %dma_start3A_502 = tpu.memref_squeeze %dma_start3A_501 : memref<1x32x1024xf32, #tpu.memory_space<vmem>> -> memref<32x1024xf32, #tpu.memory_space<vmem>>
    %dma_start3A_503 = arith.constant 0 : i32
    %dma_start3A_504 = tpu.memref_slice %arg2[%add3A_20, %dma_start3A_503] : memref<16384x1024xf32, #tpu.memory_space<hbm>> -> memref<32x1024xf32, #tpu.memory_space<hbm>>
    %dma_start3A_505 = tpu.memref_slice %arg5[%dma_start3A_498] : memref<2x!tpu.dma_semaphore, #tpu.memory_space<semaphore_mem>> -> memref<1x!tpu.dma_semaphore, #tpu.memory_space<semaphore_mem>>
    %dma_start3A_506 = tpu.memref_squeeze %dma_start3A_505 : memref<1x!tpu.dma_semaphore, #tpu.memory_space<semaphore_mem>> -> memref<!tpu.dma_semaphore, #tpu.memory_space<semaphore_mem>>
    %dma_start3A_507 = arith.constant 0 : i32
    %dma_start3A_508 = arith.constant 0 : i32
    %dma_start3A_509 = tpu.memref_slice %arg4[%dma_start3A_497, %dma_start3A_507, %dma_start3A_508] : memref<2x32x1024xf32, #tpu.memory_space<vmem>> -> memref<1x32x1024xf32, #tpu.memory_space<vmem>>
    %dma_start3A_510 = tpu.memref_squeeze %dma_start3A_509 : memref<1x32x1024xf32, #tpu.memory_space<vmem>> -> memref<32x1024xf32, #tpu.memory_space<vmem>>
    %dma_start3A_511 = arith.constant 0 : i32
    %dma_start3A_512 = tpu.memref_slice %arg2[%add3A_20, %dma_start3A_511] : memref<16384x1024xf32, #tpu.memory_space<hbm>> -> memref<32x1024xf32, #tpu.memory_space<hbm>>
    tpu.enqueue_dma source(%dma_start3A_512 : memref<32x1024xf32, #tpu.memory_space<hbm>>) target(%dma_start3A_510 : memref<32x1024xf32, #tpu.memory_space<vmem>>) target_semaphore(%dma_start3A_506 : memref<!tpu.dma_semaphore, #tpu.memory_space<semaphore_mem>>)
    %dma_wait3A_513 = arith.constant 1 : i32
    %dma_wait3A_514 = arith.constant 1 : i32
    %dma_wait3A_515 = arith.constant 0 : i32
    %dma_wait3A_516 = arith.constant 0 : i32
    %dma_wait3A_517 = tpu.memref_slice %arg4[%dma_wait3A_513, %dma_wait3A_515, %dma_wait3A_516] : memref<2x32x1024xf32, #tpu.memory_space<vmem>> -> memref<1x32x1024xf32, #tpu.memory_space<vmem>>
    %dma_wait3A_518 = tpu.memref_squeeze %dma_wait3A_517 : memref<1x32x1024xf32, #tpu.memory_space<vmem>> -> memref<32x1024xf32, #tpu.memory_space<vmem>>
    %dma_wait3A_519 = arith.constant 0 : i32
    %dma_wait3A_520 = tpu.memref_slice %arg2[%add3A_18, %dma_wait3A_519] : memref<16384x1024xf32, #tpu.memory_space<hbm>> -> memref<32x1024xf32, #tpu.memory_space<hbm>>
    %dma_wait3A_521 = tpu.memref_slice %arg5[%dma_wait3A_514] : memref<2x!tpu.dma_semaphore, #tpu.memory_space<semaphore_mem>> -> memref<1x!tpu.dma_semaphore, #tpu.memory_space<semaphore_mem>>
    %dma_wait3A_522 = tpu.memref_squeeze %dma_wait3A_521 : memref<1x!tpu.dma_semaphore, #tpu.memory_space<semaphore_mem>> -> memref<!tpu.dma_semaphore, #tpu.memory_space<semaphore_mem>>
    %dma_wait3A_523 = arith.constant 0 : i32
    %dma_wait3A_524 = arith.constant 0 : i32
    %dma_wait3A_525 = tpu.memref_slice %arg4[%dma_wait3A_513, %dma_wait3A_523, %dma_wait3A_524] : memref<2x32x1024xf32, #tpu.memory_space<vmem>> -> memref<1x32x1024xf32, #tpu.memory_space<vmem>>
    %dma_wait3A_526 = tpu.memref_squeeze %dma_wait3A_525 : memref<1x32x1024xf32, #tpu.memory_space<vmem>> -> memref<32x1024xf32, #tpu.memory_space<vmem>>
    %dma_wait3A_527 = arith.constant 0 : i32
    %dma_wait3A_528 = tpu.memref_slice %arg2[%add3A_18, %dma_wait3A_527] : memref<16384x1024xf32, #tpu.memory_space<hbm>> -> memref<32x1024xf32, #tpu.memory_space<hbm>>
    tpu.wait_dma2 semaphore(%dma_wait3A_522 : memref<!tpu.dma_semaphore, #tpu.memory_space<semaphore_mem>>) src(%dma_wait3A_528 : memref<32x1024xf32, #tpu.memory_space<hbm>>) dst(%dma_wait3A_526 : memref<32x1024xf32, #tpu.memory_space<vmem>>)
    %dma_start3A_529 = arith.constant 1 : i32
    %dma_start3A_530 = arith.constant 1 : i32
    %dma_start3A_531 = arith.constant 0 : i32
    %dma_start3A_532 = arith.constant 0 : i32
    %dma_start3A_533 = tpu.memref_slice %arg4[%dma_start3A_529, %dma_start3A_531, %dma_start3A_532] : memref<2x32x1024xf32, #tpu.memory_space<vmem>> -> memref<1x32x1024xf32, #tpu.memory_space<vmem>>
    %dma_start3A_534 = tpu.memref_squeeze %dma_start3A_533 : memref<1x32x1024xf32, #tpu.memory_space<vmem>> -> memref<32x1024xf32, #tpu.memory_space<vmem>>
    %dma_start3A_535 = arith.constant 0 : i32
    %dma_start3A_536 = tpu.memref_slice %arg3[%add3A_18, %dma_start3A_535] : memref<16384x1024xf32, #tpu.memory_space<hbm>> -> memref<32x1024xf32, #tpu.memory_space<hbm>>
    %dma_start3A_537 = tpu.memref_slice %arg6[%dma_start3A_530] : memref<2x!tpu.dma_semaphore, #tpu.memory_space<semaphore_mem>> -> memref<1x!tpu.dma_semaphore, #tpu.memory_space<semaphore_mem>>
    %dma_start3A_538 = tpu.memref_squeeze %dma_start3A_537 : memref<1x!tpu.dma_semaphore, #tpu.memory_space<semaphore_mem>> -> memref<!tpu.dma_semaphore, #tpu.memory_space<semaphore_mem>>
    %dma_start3A_539 = arith.constant 0 : i32
    %dma_start3A_540 = tpu.memref_slice %arg3[%add3A_18, %dma_start3A_539] : memref<16384x1024xf32, #tpu.memory_space<hbm>> -> memref<32x1024xf32, #tpu.memory_space<hbm>>
    %dma_start3A_541 = arith.constant 0 : i32
    %dma_start3A_542 = arith.constant 0 : i32
    %dma_start3A_543 = tpu.memref_slice %arg4[%dma_start3A_529, %dma_start3A_541, %dma_start3A_542] : memref<2x32x1024xf32, #tpu.memory_space<vmem>> -> memref<1x32x1024xf32, #tpu.memory_space<vmem>>
    %dma_start3A_544 = tpu.memref_squeeze %dma_start3A_543 : memref<1x32x1024xf32, #tpu.memory_space<vmem>> -> memref<32x1024xf32, #tpu.memory_space<vmem>>
    tpu.enqueue_dma source(%dma_start3A_544 : memref<32x1024xf32, #tpu.memory_space<vmem>>) target(%dma_start3A_540 : memref<32x1024xf32, #tpu.memory_space<hbm>>) target_semaphore(%dma_start3A_538 : memref<!tpu.dma_semaphore, #tpu.memory_space<semaphore_mem>>)
    %dma_wait3A_545 = arith.constant 1 : i32
    %dma_wait3A_546 = arith.constant 1 : i32
    %dma_wait3A_547 = arith.constant 0 : i32
    %dma_wait3A_548 = arith.constant 0 : i32
    %dma_wait3A_549 = tpu.memref_slice %arg4[%dma_wait3A_545, %dma_wait3A_547, %dma_wait3A_548] : memref<2x32x1024xf32, #tpu.memory_space<vmem>> -> memref<1x32x1024xf32, #tpu.memory_space<vmem>>
    %dma_wait3A_550 = tpu.memref_squeeze %dma_wait3A_549 : memref<1x32x1024xf32, #tpu.memory_space<vmem>> -> memref<32x1024xf32, #tpu.memory_space<vmem>>
    %dma_wait3A_551 = arith.constant 0 : i32
    %dma_wait3A_552 = tpu.memref_slice %arg3[%add3A_18, %dma_wait3A_551] : memref<16384x1024xf32, #tpu.memory_space<hbm>> -> memref<32x1024xf32, #tpu.memory_space<hbm>>
    %dma_wait3A_553 = tpu.memref_slice %arg6[%dma_wait3A_546] : memref<2x!tpu.dma_semaphore, #tpu.memory_space<semaphore_mem>> -> memref<1x!tpu.dma_semaphore, #tpu.memory_space<semaphore_mem>>
    %dma_wait3A_554 = tpu.memref_squeeze %dma_wait3A_553 : memref<1x!tpu.dma_semaphore, #tpu.memory_space<semaphore_mem>> -> memref<!tpu.dma_semaphore, #tpu.memory_space<semaphore_mem>>
    %dma_wait3A_555 = arith.constant 0 : i32
    %dma_wait3A_556 = tpu.memref_slice %arg3[%add3A_18, %dma_wait3A_555] : memref<16384x1024xf32, #tpu.memory_space<hbm>> -> memref<32x1024xf32, #tpu.memory_space<hbm>>
    %dma_wait3A_557 = arith.constant 0 : i32
    %dma_wait3A_558 = arith.constant 0 : i32
    %dma_wait3A_559 = tpu.memref_slice %arg4[%dma_wait3A_545, %dma_wait3A_557, %dma_wait3A_558] : memref<2x32x1024xf32, #tpu.memory_space<vmem>> -> memref<1x32x1024xf32, #tpu.memory_space<vmem>>
    %dma_wait3A_560 = tpu.memref_squeeze %dma_wait3A_559 : memref<1x32x1024xf32, #tpu.memory_space<vmem>> -> memref<32x1024xf32, #tpu.memory_space<vmem>>
    tpu.wait_dma2 semaphore(%dma_wait3A_554 : memref<!tpu.dma_semaphore, #tpu.memory_space<semaphore_mem>>) src(%dma_wait3A_560 : memref<32x1024xf32, #tpu.memory_space<vmem>>) dst(%dma_wait3A_556 : memref<32x1024xf32, #tpu.memory_space<hbm>>)
    %dma_start3A_561 = arith.constant 1 : i32
    %dma_start3A_562 = arith.constant 1 : i32
    %dma_start3A_563 = arith.constant 0 : i32
    %dma_start3A_564 = arith.constant 0 : i32
    %dma_start3A_565 = tpu.memref_slice %arg4[%dma_start3A_561, %dma_start3A_563, %dma_start3A_564] : memref<2x32x1024xf32, #tpu.memory_space<vmem>> -> memref<1x32x1024xf32, #tpu.memory_space<vmem>>
    %dma_start3A_566 = tpu.memref_squeeze %dma_start3A_565 : memref<1x32x1024xf32, #tpu.memory_space<vmem>> -> memref<32x1024xf32, #tpu.memory_space<vmem>>
    %dma_start3A_567 = arith.constant 0 : i32
    %dma_start3A_568 = tpu.memref_slice %arg2[%add3A_22, %dma_start3A_567] : memref<16384x1024xf32, #tpu.memory_space<hbm>> -> memref<32x1024xf32, #tpu.memory_space<hbm>>
    %dma_start3A_569 = tpu.memref_slice %arg5[%dma_start3A_562] : memref<2x!tpu.dma_semaphore, #tpu.memory_space<semaphore_mem>> -> memref<1x!tpu.dma_semaphore, #tpu.memory_space<semaphore_mem>>
    %dma_start3A_570 = tpu.memref_squeeze %dma_start3A_569 : memref<1x!tpu.dma_semaphore, #tpu.memory_space<semaphore_mem>> -> memref<!tpu.dma_semaphore, #tpu.memory_space<semaphore_mem>>
    %dma_start3A_571 = arith.constant 0 : i32
    %dma_start3A_572 = arith.constant 0 : i32
    %dma_start3A_573 = tpu.memref_slice %arg4[%dma_start3A_561, %dma_start3A_571, %dma_start3A_572] : memref<2x32x1024xf32, #tpu.memory_space<vmem>> -> memref<1x32x1024xf32, #tpu.memory_space<vmem>>
    %dma_start3A_574 = tpu.memref_squeeze %dma_start3A_573 : memref<1x32x1024xf32, #tpu.memory_space<vmem>> -> memref<32x1024xf32, #tpu.memory_space<vmem>>
    %dma_start3A_575 = arith.constant 0 : i32
    %dma_start3A_576 = tpu.memref_slice %arg2[%add3A_22, %dma_start3A_575] : memref<16384x1024xf32, #tpu.memory_space<hbm>> -> memref<32x1024xf32, #tpu.memory_space<hbm>>
    tpu.enqueue_dma source(%dma_start3A_576 : memref<32x1024xf32, #tpu.memory_space<hbm>>) target(%dma_start3A_574 : memref<32x1024xf32, #tpu.memory_space<vmem>>) target_semaphore(%dma_start3A_570 : memref<!tpu.dma_semaphore, #tpu.memory_space<semaphore_mem>>)
    %dma_wait3A_577 = arith.constant 0 : i32
    %dma_wait3A_578 = arith.constant 0 : i32
    %dma_wait3A_579 = arith.constant 0 : i32
    %dma_wait3A_580 = arith.constant 0 : i32
    %dma_wait3A_581 = tpu.memref_slice %arg4[%dma_wait3A_577, %dma_wait3A_579, %dma_wait3A_580] : memref<2x32x1024xf32, #tpu.memory_space<vmem>> -> memref<1x32x1024xf32, #tpu.memory_space<vmem>>
    %dma_wait3A_582 = tpu.memref_squeeze %dma_wait3A_581 : memref<1x32x1024xf32, #tpu.memory_space<vmem>> -> memref<32x1024xf32, #tpu.memory_space<vmem>>
    %dma_wait3A_583 = arith.constant 0 : i32
    %dma_wait3A_584 = tpu.memref_slice %arg2[%add3A_20, %dma_wait3A_583] : memref<16384x1024xf32, #tpu.memory_space<hbm>> -> memref<32x1024xf32, #tpu.memory_space<hbm>>
    %dma_wait3A_585 = tpu.memref_slice %arg5[%dma_wait3A_578] : memref<2x!tpu.dma_semaphore, #tpu.memory_space<semaphore_mem>> -> memref<1x!tpu.dma_semaphore, #tpu.memory_space<semaphore_mem>>
    %dma_wait3A_586 = tpu.memref_squeeze %dma_wait3A_585 : memref<1x!tpu.dma_semaphore, #tpu.memory_space<semaphore_mem>> -> memref<!tpu.dma_semaphore, #tpu.memory_space<semaphore_mem>>
    %dma_wait3A_587 = arith.constant 0 : i32
    %dma_wait3A_588 = arith.constant 0 : i32
    %dma_wait3A_589 = tpu.memref_slice %arg4[%dma_wait3A_577, %dma_wait3A_587, %dma_wait3A_588] : memref<2x32x1024xf32, #tpu.memory_space<vmem>> -> memref<1x32x1024xf32, #tpu.memory_space<vmem>>
    %dma_wait3A_590 = tpu.memref_squeeze %dma_wait3A_589 : memref<1x32x1024xf32, #tpu.memory_space<vmem>> -> memref<32x1024xf32, #tpu.memory_space<vmem>>
    %dma_wait3A_591 = arith.constant 0 : i32
    %dma_wait3A_592 = tpu.memref_slice %arg2[%add3A_20, %dma_wait3A_591] : memref<16384x1024xf32, #tpu.memory_space<hbm>> -> memref<32x1024xf32, #tpu.memory_space<hbm>>
    tpu.wait_dma2 semaphore(%dma_wait3A_586 : memref<!tpu.dma_semaphore, #tpu.memory_space<semaphore_mem>>) src(%dma_wait3A_592 : memref<32x1024xf32, #tpu.memory_space<hbm>>) dst(%dma_wait3A_590 : memref<32x1024xf32, #tpu.memory_space<vmem>>)
    %dma_start3A_593 = arith.constant 0 : i32
    %dma_start3A_594 = arith.constant 0 : i32
    %dma_start3A_595 = arith.constant 0 : i32
    %dma_start3A_596 = arith.constant 0 : i32
    %dma_start3A_597 = tpu.memref_slice %arg4[%dma_start3A_593, %dma_start3A_595, %dma_start3A_596] : memref<2x32x1024xf32, #tpu.memory_space<vmem>> -> memref<1x32x1024xf32, #tpu.memory_space<vmem>>
    %dma_start3A_598 = tpu.memref_squeeze %dma_start3A_597 : memref<1x32x1024xf32, #tpu.memory_space<vmem>> -> memref<32x1024xf32, #tpu.memory_space<vmem>>
    %dma_start3A_599 = arith.constant 0 : i32
    %dma_start3A_600 = tpu.memref_slice %arg3[%add3A_20, %dma_start3A_599] : memref<16384x1024xf32, #tpu.memory_space<hbm>> -> memref<32x1024xf32, #tpu.memory_space<hbm>>
    %dma_start3A_601 = tpu.memref_slice %arg6[%dma_start3A_594] : memref<2x!tpu.dma_semaphore, #tpu.memory_space<semaphore_mem>> -> memref<1x!tpu.dma_semaphore, #tpu.memory_space<semaphore_mem>>
    %dma_start3A_602 = tpu.memref_squeeze %dma_start3A_601 : memref<1x!tpu.dma_semaphore, #tpu.memory_space<semaphore_mem>> -> memref<!tpu.dma_semaphore, #tpu.memory_space<semaphore_mem>>
    %dma_start3A_603 = arith.constant 0 : i32
    %dma_start3A_604 = tpu.memref_slice %arg3[%add3A_20, %dma_start3A_603] : memref<16384x1024xf32, #tpu.memory_space<hbm>> -> memref<32x1024xf32, #tpu.memory_space<hbm>>
    %dma_start3A_605 = arith.constant 0 : i32
    %dma_start3A_606 = arith.constant 0 : i32
    %dma_start3A_607 = tpu.memref_slice %arg4[%dma_start3A_593, %dma_start3A_605, %dma_start3A_606] : memref<2x32x1024xf32, #tpu.memory_space<vmem>> -> memref<1x32x1024xf32, #tpu.memory_space<vmem>>
    %dma_start3A_608 = tpu.memref_squeeze %dma_start3A_607 : memref<1x32x1024xf32, #tpu.memory_space<vmem>> -> memref<32x1024xf32, #tpu.memory_space<vmem>>
    tpu.enqueue_dma source(%dma_start3A_608 : memref<32x1024xf32, #tpu.memory_space<vmem>>) target(%dma_start3A_604 : memref<32x1024xf32, #tpu.memory_space<hbm>>) target_semaphore(%dma_start3A_602 : memref<!tpu.dma_semaphore, #tpu.memory_space<semaphore_mem>>)
    %dma_wait3A_609 = arith.constant 0 : i32
    %dma_wait3A_610 = arith.constant 0 : i32
    %dma_wait3A_611 = arith.constant 0 : i32
    %dma_wait3A_612 = arith.constant 0 : i32
    %dma_wait3A_613 = tpu.memref_slice %arg4[%dma_wait3A_609, %dma_wait3A_611, %dma_wait3A_612] : memref<2x32x1024xf32, #tpu.memory_space<vmem>> -> memref<1x32x1024xf32, #tpu.memory_space<vmem>>
    %dma_wait3A_614 = tpu.memref_squeeze %dma_wait3A_613 : memref<1x32x1024xf32, #tpu.memory_space<vmem>> -> memref<32x1024xf32, #tpu.memory_space<vmem>>
    %dma_wait3A_615 = arith.constant 0 : i32
    %dma_wait3A_616 = tpu.memref_slice %arg3[%add3A_20, %dma_wait3A_615] : memref<16384x1024xf32, #tpu.memory_space<hbm>> -> memref<32x1024xf32, #tpu.memory_space<hbm>>
    %dma_wait3A_617 = tpu.memref_slice %arg6[%dma_wait3A_610] : memref<2x!tpu.dma_semaphore, #tpu.memory_space<semaphore_mem>> -> memref<1x!tpu.dma_semaphore, #tpu.memory_space<semaphore_mem>>
    %dma_wait3A_618 = tpu.memref_squeeze %dma_wait3A_617 : memref<1x!tpu.dma_semaphore, #tpu.memory_space<semaphore_mem>> -> memref<!tpu.dma_semaphore, #tpu.memory_space<semaphore_mem>>
    %dma_wait3A_619 = arith.constant 0 : i32
    %dma_wait3A_620 = tpu.memref_slice %arg3[%add3A_20, %dma_wait3A_619] : memref<16384x1024xf32, #tpu.memory_space<hbm>> -> memref<32x1024xf32, #tpu.memory_space<hbm>>
    %dma_wait3A_621 = arith.constant 0 : i32
    %dma_wait3A_622 = arith.constant 0 : i32
    %dma_wait3A_623 = tpu.memref_slice %arg4[%dma_wait3A_609, %dma_wait3A_621, %dma_wait3A_622] : memref<2x32x1024xf32, #tpu.memory_space<vmem>> -> memref<1x32x1024xf32, #tpu.memory_space<vmem>>
    %dma_wait3A_624 = tpu.memref_squeeze %dma_wait3A_623 : memref<1x32x1024xf32, #tpu.memory_space<vmem>> -> memref<32x1024xf32, #tpu.memory_space<vmem>>
    tpu.wait_dma2 semaphore(%dma_wait3A_618 : memref<!tpu.dma_semaphore, #tpu.memory_space<semaphore_mem>>) src(%dma_wait3A_624 : memref<32x1024xf32, #tpu.memory_space<vmem>>) dst(%dma_wait3A_620 : memref<32x1024xf32, #tpu.memory_space<hbm>>)
    %dma_start3A_625 = arith.constant 0 : i32
    %dma_start3A_626 = arith.constant 0 : i32
    %dma_start3A_627 = arith.constant 0 : i32
    %dma_start3A_628 = arith.constant 0 : i32
    %dma_start3A_629 = tpu.memref_slice %arg4[%dma_start3A_625, %dma_start3A_627, %dma_start3A_628] : memref<2x32x1024xf32, #tpu.memory_space<vmem>> -> memref<1x32x1024xf32, #tpu.memory_space<vmem>>
    %dma_start3A_630 = tpu.memref_squeeze %dma_start3A_629 : memref<1x32x1024xf32, #tpu.memory_space<vmem>> -> memref<32x1024xf32, #tpu.memory_space<vmem>>
    %dma_start3A_631 = arith.constant 0 : i32
    %dma_start3A_632 = tpu.memref_slice %arg2[%add3A_24, %dma_start3A_631] : memref<16384x1024xf32, #tpu.memory_space<hbm>> -> memref<32x1024xf32, #tpu.memory_space<hbm>>
    %dma_start3A_633 = tpu.memref_slice %arg5[%dma_start3A_626] : memref<2x!tpu.dma_semaphore, #tpu.memory_space<semaphore_mem>> -> memref<1x!tpu.dma_semaphore, #tpu.memory_space<semaphore_mem>>
    %dma_start3A_634 = tpu.memref_squeeze %dma_start3A_633 : memref<1x!tpu.dma_semaphore, #tpu.memory_space<semaphore_mem>> -> memref<!tpu.dma_semaphore, #tpu.memory_space<semaphore_mem>>
    %dma_start3A_635 = arith.constant 0 : i32
    %dma_start3A_636 = arith.constant 0 : i32
    %dma_start3A_637 = tpu.memref_slice %arg4[%dma_start3A_625, %dma_start3A_635, %dma_start3A_636] : memref<2x32x1024xf32, #tpu.memory_space<vmem>> -> memref<1x32x1024xf32, #tpu.memory_space<vmem>>
    %dma_start3A_638 = tpu.memref_squeeze %dma_start3A_637 : memref<1x32x1024xf32, #tpu.memory_space<vmem>> -> memref<32x1024xf32, #tpu.memory_space<vmem>>
    %dma_start3A_639 = arith.constant 0 : i32
    %dma_start3A_640 = tpu.memref_slice %arg2[%add3A_24, %dma_start3A_639] : memref<16384x1024xf32, #tpu.memory_space<hbm>> -> memref<32x1024xf32, #tpu.memory_space<hbm>>
    tpu.enqueue_dma source(%dma_start3A_640 : memref<32x1024xf32, #tpu.memory_space<hbm>>) target(%dma_start3A_638 : memref<32x1024xf32, #tpu.memory_space<vmem>>) target_semaphore(%dma_start3A_634 : memref<!tpu.dma_semaphore, #tpu.memory_space<semaphore_mem>>)
    %dma_wait3A_641 = arith.constant 1 : i32
    %dma_wait3A_642 = arith.constant 1 : i32
    %dma_wait3A_643 = arith.constant 0 : i32
    %dma_wait3A_644 = arith.constant 0 : i32
    %dma_wait3A_645 = tpu.memref_slice %arg4[%dma_wait3A_641, %dma_wait3A_643, %dma_wait3A_644] : memref<2x32x1024xf32, #tpu.memory_space<vmem>> -> memref<1x32x1024xf32, #tpu.memory_space<vmem>>
    %dma_wait3A_646 = tpu.memref_squeeze %dma_wait3A_645 : memref<1x32x1024xf32, #tpu.memory_space<vmem>> -> memref<32x1024xf32, #tpu.memory_space<vmem>>
    %dma_wait3A_647 = arith.constant 0 : i32
    %dma_wait3A_648 = tpu.memref_slice %arg2[%add3A_22, %dma_wait3A_647] : memref<16384x1024xf32, #tpu.memory_space<hbm>> -> memref<32x1024xf32, #tpu.memory_space<hbm>>
    %dma_wait3A_649 = tpu.memref_slice %arg5[%dma_wait3A_642] : memref<2x!tpu.dma_semaphore, #tpu.memory_space<semaphore_mem>> -> memref<1x!tpu.dma_semaphore, #tpu.memory_space<semaphore_mem>>
    %dma_wait3A_650 = tpu.memref_squeeze %dma_wait3A_649 : memref<1x!tpu.dma_semaphore, #tpu.memory_space<semaphore_mem>> -> memref<!tpu.dma_semaphore, #tpu.memory_space<semaphore_mem>>
    %dma_wait3A_651 = arith.constant 0 : i32
    %dma_wait3A_652 = arith.constant 0 : i32
    %dma_wait3A_653 = tpu.memref_slice %arg4[%dma_wait3A_641, %dma_wait3A_651, %dma_wait3A_652] : memref<2x32x1024xf32, #tpu.memory_space<vmem>> -> memref<1x32x1024xf32, #tpu.memory_space<vmem>>
    %dma_wait3A_654 = tpu.memref_squeeze %dma_wait3A_653 : memref<1x32x1024xf32, #tpu.memory_space<vmem>> -> memref<32x1024xf32, #tpu.memory_space<vmem>>
    %dma_wait3A_655 = arith.constant 0 : i32
    %dma_wait3A_656 = tpu.memref_slice %arg2[%add3A_22, %dma_wait3A_655] : memref<16384x1024xf32, #tpu.memory_space<hbm>> -> memref<32x1024xf32, #tpu.memory_space<hbm>>
    tpu.wait_dma2 semaphore(%dma_wait3A_650 : memref<!tpu.dma_semaphore, #tpu.memory_space<semaphore_mem>>) src(%dma_wait3A_656 : memref<32x1024xf32, #tpu.memory_space<hbm>>) dst(%dma_wait3A_654 : memref<32x1024xf32, #tpu.memory_space<vmem>>)
    %dma_start3A_657 = arith.constant 1 : i32
    %dma_start3A_658 = arith.constant 1 : i32
    %dma_start3A_659 = arith.constant 0 : i32
    %dma_start3A_660 = arith.constant 0 : i32
    %dma_start3A_661 = tpu.memref_slice %arg4[%dma_start3A_657, %dma_start3A_659, %dma_start3A_660] : memref<2x32x1024xf32, #tpu.memory_space<vmem>> -> memref<1x32x1024xf32, #tpu.memory_space<vmem>>
    %dma_start3A_662 = tpu.memref_squeeze %dma_start3A_661 : memref<1x32x1024xf32, #tpu.memory_space<vmem>> -> memref<32x1024xf32, #tpu.memory_space<vmem>>
    %dma_start3A_663 = arith.constant 0 : i32
    %dma_start3A_664 = tpu.memref_slice %arg3[%add3A_22, %dma_start3A_663] : memref<16384x1024xf32, #tpu.memory_space<hbm>> -> memref<32x1024xf32, #tpu.memory_space<hbm>>
    %dma_start3A_665 = tpu.memref_slice %arg6[%dma_start3A_658] : memref<2x!tpu.dma_semaphore, #tpu.memory_space<semaphore_mem>> -> memref<1x!tpu.dma_semaphore, #tpu.memory_space<semaphore_mem>>
    %dma_start3A_666 = tpu.memref_squeeze %dma_start3A_665 : memref<1x!tpu.dma_semaphore, #tpu.memory_space<semaphore_mem>> -> memref<!tpu.dma_semaphore, #tpu.memory_space<semaphore_mem>>
    %dma_start3A_667 = arith.constant 0 : i32
    %dma_start3A_668 = tpu.memref_slice %arg3[%add3A_22, %dma_start3A_667] : memref<16384x1024xf32, #tpu.memory_space<hbm>> -> memref<32x1024xf32, #tpu.memory_space<hbm>>
    %dma_start3A_669 = arith.constant 0 : i32
    %dma_start3A_670 = arith.constant 0 : i32
    %dma_start3A_671 = tpu.memref_slice %arg4[%dma_start3A_657, %dma_start3A_669, %dma_start3A_670] : memref<2x32x1024xf32, #tpu.memory_space<vmem>> -> memref<1x32x1024xf32, #tpu.memory_space<vmem>>
    %dma_start3A_672 = tpu.memref_squeeze %dma_start3A_671 : memref<1x32x1024xf32, #tpu.memory_space<vmem>> -> memref<32x1024xf32, #tpu.memory_space<vmem>>
    tpu.enqueue_dma source(%dma_start3A_672 : memref<32x1024xf32, #tpu.memory_space<vmem>>) target(%dma_start3A_668 : memref<32x1024xf32, #tpu.memory_space<hbm>>) target_semaphore(%dma_start3A_666 : memref<!tpu.dma_semaphore, #tpu.memory_space<semaphore_mem>>)
    %dma_wait3A_673 = arith.constant 1 : i32
    %dma_wait3A_674 = arith.constant 1 : i32
    %dma_wait3A_675 = arith.constant 0 : i32
    %dma_wait3A_676 = arith.constant 0 : i32
    %dma_wait3A_677 = tpu.memref_slice %arg4[%dma_wait3A_673, %dma_wait3A_675, %dma_wait3A_676] : memref<2x32x1024xf32, #tpu.memory_space<vmem>> -> memref<1x32x1024xf32, #tpu.memory_space<vmem>>
    %dma_wait3A_678 = tpu.memref_squeeze %dma_wait3A_677 : memref<1x32x1024xf32, #tpu.memory_space<vmem>> -> memref<32x1024xf32, #tpu.memory_space<vmem>>
    %dma_wait3A_679 = arith.constant 0 : i32
    %dma_wait3A_680 = tpu.memref_slice %arg3[%add3A_22, %dma_wait3A_679] : memref<16384x1024xf32, #tpu.memory_space<hbm>> -> memref<32x1024xf32, #tpu.memory_space<hbm>>
    %dma_wait3A_681 = tpu.memref_slice %arg6[%dma_wait3A_674] : memref<2x!tpu.dma_semaphore, #tpu.memory_space<semaphore_mem>> -> memref<1x!tpu.dma_semaphore, #tpu.memory_space<semaphore_mem>>
    %dma_wait3A_682 = tpu.memref_squeeze %dma_wait3A_681 : memref<1x!tpu.dma_semaphore, #tpu.memory_space<semaphore_mem>> -> memref<!tpu.dma_semaphore, #tpu.memory_space<semaphore_mem>>
    %dma_wait3A_683 = arith.constant 0 : i32
    %dma_wait3A_684 = tpu.memref_slice %arg3[%add3A_22, %dma_wait3A_683] : memref<16384x1024xf32, #tpu.memory_space<hbm>> -> memref<32x1024xf32, #tpu.memory_space<hbm>>
    %dma_wait3A_685 = arith.constant 0 : i32
    %dma_wait3A_686 = arith.constant 0 : i32
    %dma_wait3A_687 = tpu.memref_slice %arg4[%dma_wait3A_673, %dma_wait3A_685, %dma_wait3A_686] : memref<2x32x1024xf32, #tpu.memory_space<vmem>> -> memref<1x32x1024xf32, #tpu.memory_space<vmem>>
    %dma_wait3A_688 = tpu.memref_squeeze %dma_wait3A_687 : memref<1x32x1024xf32, #tpu.memory_space<vmem>> -> memref<32x1024xf32, #tpu.memory_space<vmem>>
    tpu.wait_dma2 semaphore(%dma_wait3A_682 : memref<!tpu.dma_semaphore, #tpu.memory_space<semaphore_mem>>) src(%dma_wait3A_688 : memref<32x1024xf32, #tpu.memory_space<vmem>>) dst(%dma_wait3A_684 : memref<32x1024xf32, #tpu.memory_space<hbm>>)
    %dma_start3A_689 = arith.constant 1 : i32
    %dma_start3A_690 = arith.constant 1 : i32
    %dma_start3A_691 = arith.constant 0 : i32
    %dma_start3A_692 = arith.constant 0 : i32
    %dma_start3A_693 = tpu.memref_slice %arg4[%dma_start3A_689, %dma_start3A_691, %dma_start3A_692] : memref<2x32x1024xf32, #tpu.memory_space<vmem>> -> memref<1x32x1024xf32, #tpu.memory_space<vmem>>
    %dma_start3A_694 = tpu.memref_squeeze %dma_start3A_693 : memref<1x32x1024xf32, #tpu.memory_space<vmem>> -> memref<32x1024xf32, #tpu.memory_space<vmem>>
    %dma_start3A_695 = arith.constant 0 : i32
    %dma_start3A_696 = tpu.memref_slice %arg2[%add3A_26, %dma_start3A_695] : memref<16384x1024xf32, #tpu.memory_space<hbm>> -> memref<32x1024xf32, #tpu.memory_space<hbm>>
    %dma_start3A_697 = tpu.memref_slice %arg5[%dma_start3A_690] : memref<2x!tpu.dma_semaphore, #tpu.memory_space<semaphore_mem>> -> memref<1x!tpu.dma_semaphore, #tpu.memory_space<semaphore_mem>>
    %dma_start3A_698 = tpu.memref_squeeze %dma_start3A_697 : memref<1x!tpu.dma_semaphore, #tpu.memory_space<semaphore_mem>> -> memref<!tpu.dma_semaphore, #tpu.memory_space<semaphore_mem>>
    %dma_start3A_699 = arith.constant 0 : i32
    %dma_start3A_700 = arith.constant 0 : i32
    %dma_start3A_701 = tpu.memref_slice %arg4[%dma_start3A_689, %dma_start3A_699, %dma_start3A_700] : memref<2x32x1024xf32, #tpu.memory_space<vmem>> -> memref<1x32x1024xf32, #tpu.memory_space<vmem>>
    %dma_start3A_702 = tpu.memref_squeeze %dma_start3A_701 : memref<1x32x1024xf32, #tpu.memory_space<vmem>> -> memref<32x1024xf32, #tpu.memory_space<vmem>>
    %dma_start3A_703 = arith.constant 0 : i32
    %dma_start3A_704 = tpu.memref_slice %arg2[%add3A_26, %dma_start3A_703] : memref<16384x1024xf32, #tpu.memory_space<hbm>> -> memref<32x1024xf32, #tpu.memory_space<hbm>>
    tpu.enqueue_dma source(%dma_start3A_704 : memref<32x1024xf32, #tpu.memory_space<hbm>>) target(%dma_start3A_702 : memref<32x1024xf32, #tpu.memory_space<vmem>>) target_semaphore(%dma_start3A_698 : memref<!tpu.dma_semaphore, #tpu.memory_space<semaphore_mem>>)
    %dma_wait3A_705 = arith.constant 0 : i32
    %dma_wait3A_706 = arith.constant 0 : i32
    %dma_wait3A_707 = arith.constant 0 : i32
    %dma_wait3A_708 = arith.constant 0 : i32
    %dma_wait3A_709 = tpu.memref_slice %arg4[%dma_wait3A_705, %dma_wait3A_707, %dma_wait3A_708] : memref<2x32x1024xf32, #tpu.memory_space<vmem>> -> memref<1x32x1024xf32, #tpu.memory_space<vmem>>
    %dma_wait3A_710 = tpu.memref_squeeze %dma_wait3A_709 : memref<1x32x1024xf32, #tpu.memory_space<vmem>> -> memref<32x1024xf32, #tpu.memory_space<vmem>>
    %dma_wait3A_711 = arith.constant 0 : i32
    %dma_wait3A_712 = tpu.memref_slice %arg2[%add3A_24, %dma_wait3A_711] : memref<16384x1024xf32, #tpu.memory_space<hbm>> -> memref<32x1024xf32, #tpu.memory_space<hbm>>
    %dma_wait3A_713 = tpu.memref_slice %arg5[%dma_wait3A_706] : memref<2x!tpu.dma_semaphore, #tpu.memory_space<semaphore_mem>> -> memref<1x!tpu.dma_semaphore, #tpu.memory_space<semaphore_mem>>
    %dma_wait3A_714 = tpu.memref_squeeze %dma_wait3A_713 : memref<1x!tpu.dma_semaphore, #tpu.memory_space<semaphore_mem>> -> memref<!tpu.dma_semaphore, #tpu.memory_space<semaphore_mem>>
    %dma_wait3A_715 = arith.constant 0 : i32
    %dma_wait3A_716 = arith.constant 0 : i32
    %dma_wait3A_717 = tpu.memref_slice %arg4[%dma_wait3A_705, %dma_wait3A_715, %dma_wait3A_716] : memref<2x32x1024xf32, #tpu.memory_space<vmem>> -> memref<1x32x1024xf32, #tpu.memory_space<vmem>>
    %dma_wait3A_718 = tpu.memref_squeeze %dma_wait3A_717 : memref<1x32x1024xf32, #tpu.memory_space<vmem>> -> memref<32x1024xf32, #tpu.memory_space<vmem>>
    %dma_wait3A_719 = arith.constant 0 : i32
    %dma_wait3A_720 = tpu.memref_slice %arg2[%add3A_24, %dma_wait3A_719] : memref<16384x1024xf32, #tpu.memory_space<hbm>> -> memref<32x1024xf32, #tpu.memory_space<hbm>>
    tpu.wait_dma2 semaphore(%dma_wait3A_714 : memref<!tpu.dma_semaphore, #tpu.memory_space<semaphore_mem>>) src(%dma_wait3A_720 : memref<32x1024xf32, #tpu.memory_space<hbm>>) dst(%dma_wait3A_718 : memref<32x1024xf32, #tpu.memory_space<vmem>>)
    %dma_start3A_721 = arith.constant 0 : i32
    %dma_start3A_722 = arith.constant 0 : i32
    %dma_start3A_723 = arith.constant 0 : i32
    %dma_start3A_724 = arith.constant 0 : i32
    %dma_start3A_725 = tpu.memref_slice %arg4[%dma_start3A_721, %dma_start3A_723, %dma_start3A_724] : memref<2x32x1024xf32, #tpu.memory_space<vmem>> -> memref<1x32x1024xf32, #tpu.memory_space<vmem>>
    %dma_start3A_726 = tpu.memref_squeeze %dma_start3A_725 : memref<1x32x1024xf32, #tpu.memory_space<vmem>> -> memref<32x1024xf32, #tpu.memory_space<vmem>>
    %dma_start3A_727 = arith.constant 0 : i32
    %dma_start3A_728 = tpu.memref_slice %arg3[%add3A_24, %dma_start3A_727] : memref<16384x1024xf32, #tpu.memory_space<hbm>> -> memref<32x1024xf32, #tpu.memory_space<hbm>>
    %dma_start3A_729 = tpu.memref_slice %arg6[%dma_start3A_722] : memref<2x!tpu.dma_semaphore, #tpu.memory_space<semaphore_mem>> -> memref<1x!tpu.dma_semaphore, #tpu.memory_space<semaphore_mem>>
    %dma_start3A_730 = tpu.memref_squeeze %dma_start3A_729 : memref<1x!tpu.dma_semaphore, #tpu.memory_space<semaphore_mem>> -> memref<!tpu.dma_semaphore, #tpu.memory_space<semaphore_mem>>
    %dma_start3A_731 = arith.constant 0 : i32
    %dma_start3A_732 = tpu.memref_slice %arg3[%add3A_24, %dma_start3A_731] : memref<16384x1024xf32, #tpu.memory_space<hbm>> -> memref<32x1024xf32, #tpu.memory_space<hbm>>
    %dma_start3A_733 = arith.constant 0 : i32
    %dma_start3A_734 = arith.constant 0 : i32
    %dma_start3A_735 = tpu.memref_slice %arg4[%dma_start3A_721, %dma_start3A_733, %dma_start3A_734] : memref<2x32x1024xf32, #tpu.memory_space<vmem>> -> memref<1x32x1024xf32, #tpu.memory_space<vmem>>
    %dma_start3A_736 = tpu.memref_squeeze %dma_start3A_735 : memref<1x32x1024xf32, #tpu.memory_space<vmem>> -> memref<32x1024xf32, #tpu.memory_space<vmem>>
    tpu.enqueue_dma source(%dma_start3A_736 : memref<32x1024xf32, #tpu.memory_space<vmem>>) target(%dma_start3A_732 : memref<32x1024xf32, #tpu.memory_space<hbm>>) target_semaphore(%dma_start3A_730 : memref<!tpu.dma_semaphore, #tpu.memory_space<semaphore_mem>>)
    %dma_wait3A_737 = arith.constant 0 : i32
    %dma_wait3A_738 = arith.constant 0 : i32
    %dma_wait3A_739 = arith.constant 0 : i32
    %dma_wait3A_740 = arith.constant 0 : i32
    %dma_wait3A_741 = tpu.memref_slice %arg4[%dma_wait3A_737, %dma_wait3A_739, %dma_wait3A_740] : memref<2x32x1024xf32, #tpu.memory_space<vmem>> -> memref<1x32x1024xf32, #tpu.memory_space<vmem>>
    %dma_wait3A_742 = tpu.memref_squeeze %dma_wait3A_741 : memref<1x32x1024xf32, #tpu.memory_space<vmem>> -> memref<32x1024xf32, #tpu.memory_space<vmem>>
    %dma_wait3A_743 = arith.constant 0 : i32
    %dma_wait3A_744 = tpu.memref_slice %arg3[%add3A_24, %dma_wait3A_743] : memref<16384x1024xf32, #tpu.memory_space<hbm>> -> memref<32x1024xf32, #tpu.memory_space<hbm>>
    %dma_wait3A_745 = tpu.memref_slice %arg6[%dma_wait3A_738] : memref<2x!tpu.dma_semaphore, #tpu.memory_space<semaphore_mem>> -> memref<1x!tpu.dma_semaphore, #tpu.memory_space<semaphore_mem>>
    %dma_wait3A_746 = tpu.memref_squeeze %dma_wait3A_745 : memref<1x!tpu.dma_semaphore, #tpu.memory_space<semaphore_mem>> -> memref<!tpu.dma_semaphore, #tpu.memory_space<semaphore_mem>>
    %dma_wait3A_747 = arith.constant 0 : i32
    %dma_wait3A_748 = tpu.memref_slice %arg3[%add3A_24, %dma_wait3A_747] : memref<16384x1024xf32, #tpu.memory_space<hbm>> -> memref<32x1024xf32, #tpu.memory_space<hbm>>
    %dma_wait3A_749 = arith.constant 0 : i32
    %dma_wait3A_750 = arith.constant 0 : i32
    %dma_wait3A_751 = tpu.memref_slice %arg4[%dma_wait3A_737, %dma_wait3A_749, %dma_wait3A_750] : memref<2x32x1024xf32, #tpu.memory_space<vmem>> -> memref<1x32x1024xf32, #tpu.memory_space<vmem>>
    %dma_wait3A_752 = tpu.memref_squeeze %dma_wait3A_751 : memref<1x32x1024xf32, #tpu.memory_space<vmem>> -> memref<32x1024xf32, #tpu.memory_space<vmem>>
    tpu.wait_dma2 semaphore(%dma_wait3A_746 : memref<!tpu.dma_semaphore, #tpu.memory_space<semaphore_mem>>) src(%dma_wait3A_752 : memref<32x1024xf32, #tpu.memory_space<vmem>>) dst(%dma_wait3A_748 : memref<32x1024xf32, #tpu.memory_space<hbm>>)
    %dma_start3A_753 = arith.constant 0 : i32
    %dma_start3A_754 = arith.constant 0 : i32
    %dma_start3A_755 = arith.constant 0 : i32
    %dma_start3A_756 = arith.constant 0 : i32
    %dma_start3A_757 = tpu.memref_slice %arg4[%dma_start3A_753, %dma_start3A_755, %dma_start3A_756] : memref<2x32x1024xf32, #tpu.memory_space<vmem>> -> memref<1x32x1024xf32, #tpu.memory_space<vmem>>
    %dma_start3A_758 = tpu.memref_squeeze %dma_start3A_757 : memref<1x32x1024xf32, #tpu.memory_space<vmem>> -> memref<32x1024xf32, #tpu.memory_space<vmem>>
    %dma_start3A_759 = arith.constant 0 : i32
    %dma_start3A_760 = tpu.memref_slice %arg2[%add3A_28, %dma_start3A_759] : memref<16384x1024xf32, #tpu.memory_space<hbm>> -> memref<32x1024xf32, #tpu.memory_space<hbm>>
    %dma_start3A_761 = tpu.memref_slice %arg5[%dma_start3A_754] : memref<2x!tpu.dma_semaphore, #tpu.memory_space<semaphore_mem>> -> memref<1x!tpu.dma_semaphore, #tpu.memory_space<semaphore_mem>>
    %dma_start3A_762 = tpu.memref_squeeze %dma_start3A_761 : memref<1x!tpu.dma_semaphore, #tpu.memory_space<semaphore_mem>> -> memref<!tpu.dma_semaphore, #tpu.memory_space<semaphore_mem>>
    %dma_start3A_763 = arith.constant 0 : i32
    %dma_start3A_764 = arith.constant 0 : i32
    %dma_start3A_765 = tpu.memref_slice %arg4[%dma_start3A_753, %dma_start3A_763, %dma_start3A_764] : memref<2x32x1024xf32, #tpu.memory_space<vmem>> -> memref<1x32x1024xf32, #tpu.memory_space<vmem>>
    %dma_start3A_766 = tpu.memref_squeeze %dma_start3A_765 : memref<1x32x1024xf32, #tpu.memory_space<vmem>> -> memref<32x1024xf32, #tpu.memory_space<vmem>>
    %dma_start3A_767 = arith.constant 0 : i32
    %dma_start3A_768 = tpu.memref_slice %arg2[%add3A_28, %dma_start3A_767] : memref<16384x1024xf32, #tpu.memory_space<hbm>> -> memref<32x1024xf32, #tpu.memory_space<hbm>>
    tpu.enqueue_dma source(%dma_start3A_768 : memref<32x1024xf32, #tpu.memory_space<hbm>>) target(%dma_start3A_766 : memref<32x1024xf32, #tpu.memory_space<vmem>>) target_semaphore(%dma_start3A_762 : memref<!tpu.dma_semaphore, #tpu.memory_space<semaphore_mem>>)
    %dma_wait3A_769 = arith.constant 1 : i32
    %dma_wait3A_770 = arith.constant 1 : i32
    %dma_wait3A_771 = arith.constant 0 : i32
    %dma_wait3A_772 = arith.constant 0 : i32
    %dma_wait3A_773 = tpu.memref_slice %arg4[%dma_wait3A_769, %dma_wait3A_771, %dma_wait3A_772] : memref<2x32x1024xf32, #tpu.memory_space<vmem>> -> memref<1x32x1024xf32, #tpu.memory_space<vmem>>
    %dma_wait3A_774 = tpu.memref_squeeze %dma_wait3A_773 : memref<1x32x1024xf32, #tpu.memory_space<vmem>> -> memref<32x1024xf32, #tpu.memory_space<vmem>>
    %dma_wait3A_775 = arith.constant 0 : i32
    %dma_wait3A_776 = tpu.memref_slice %arg2[%add3A_26, %dma_wait3A_775] : memref<16384x1024xf32, #tpu.memory_space<hbm>> -> memref<32x1024xf32, #tpu.memory_space<hbm>>
    %dma_wait3A_777 = tpu.memref_slice %arg5[%dma_wait3A_770] : memref<2x!tpu.dma_semaphore, #tpu.memory_space<semaphore_mem>> -> memref<1x!tpu.dma_semaphore, #tpu.memory_space<semaphore_mem>>
    %dma_wait3A_778 = tpu.memref_squeeze %dma_wait3A_777 : memref<1x!tpu.dma_semaphore, #tpu.memory_space<semaphore_mem>> -> memref<!tpu.dma_semaphore, #tpu.memory_space<semaphore_mem>>
    %dma_wait3A_779 = arith.constant 0 : i32
    %dma_wait3A_780 = arith.constant 0 : i32
    %dma_wait3A_781 = tpu.memref_slice %arg4[%dma_wait3A_769, %dma_wait3A_779, %dma_wait3A_780] : memref<2x32x1024xf32, #tpu.memory_space<vmem>> -> memref<1x32x1024xf32, #tpu.memory_space<vmem>>
    %dma_wait3A_782 = tpu.memref_squeeze %dma_wait3A_781 : memref<1x32x1024xf32, #tpu.memory_space<vmem>> -> memref<32x1024xf32, #tpu.memory_space<vmem>>
    %dma_wait3A_783 = arith.constant 0 : i32
    %dma_wait3A_784 = tpu.memref_slice %arg2[%add3A_26, %dma_wait3A_783] : memref<16384x1024xf32, #tpu.memory_space<hbm>> -> memref<32x1024xf32, #tpu.memory_space<hbm>>
    tpu.wait_dma2 semaphore(%dma_wait3A_778 : memref<!tpu.dma_semaphore, #tpu.memory_space<semaphore_mem>>) src(%dma_wait3A_784 : memref<32x1024xf32, #tpu.memory_space<hbm>>) dst(%dma_wait3A_782 : memref<32x1024xf32, #tpu.memory_space<vmem>>)
    %dma_start3A_785 = arith.constant 1 : i32
    %dma_start3A_786 = arith.constant 1 : i32
    %dma_start3A_787 = arith.constant 0 : i32
    %dma_start3A_788 = arith.constant 0 : i32
    %dma_start3A_789 = tpu.memref_slice %arg4[%dma_start3A_785, %dma_start3A_787, %dma_start3A_788] : memref<2x32x1024xf32, #tpu.memory_space<vmem>> -> memref<1x32x1024xf32, #tpu.memory_space<vmem>>
    %dma_start3A_790 = tpu.memref_squeeze %dma_start3A_789 : memref<1x32x1024xf32, #tpu.memory_space<vmem>> -> memref<32x1024xf32, #tpu.memory_space<vmem>>
    %dma_start3A_791 = arith.constant 0 : i32
    %dma_start3A_792 = tpu.memref_slice %arg3[%add3A_26, %dma_start3A_791] : memref<16384x1024xf32, #tpu.memory_space<hbm>> -> memref<32x1024xf32, #tpu.memory_space<hbm>>
    %dma_start3A_793 = tpu.memref_slice %arg6[%dma_start3A_786] : memref<2x!tpu.dma_semaphore, #tpu.memory_space<semaphore_mem>> -> memref<1x!tpu.dma_semaphore, #tpu.memory_space<semaphore_mem>>
    %dma_start3A_794 = tpu.memref_squeeze %dma_start3A_793 : memref<1x!tpu.dma_semaphore, #tpu.memory_space<semaphore_mem>> -> memref<!tpu.dma_semaphore, #tpu.memory_space<semaphore_mem>>
    %dma_start3A_795 = arith.constant 0 : i32
    %dma_start3A_796 = tpu.memref_slice %arg3[%add3A_26, %dma_start3A_795] : memref<16384x1024xf32, #tpu.memory_space<hbm>> -> memref<32x1024xf32, #tpu.memory_space<hbm>>
    %dma_start3A_797 = arith.constant 0 : i32
    %dma_start3A_798 = arith.constant 0 : i32
    %dma_start3A_799 = tpu.memref_slice %arg4[%dma_start3A_785, %dma_start3A_797, %dma_start3A_798] : memref<2x32x1024xf32, #tpu.memory_space<vmem>> -> memref<1x32x1024xf32, #tpu.memory_space<vmem>>
    %dma_start3A_800 = tpu.memref_squeeze %dma_start3A_799 : memref<1x32x1024xf32, #tpu.memory_space<vmem>> -> memref<32x1024xf32, #tpu.memory_space<vmem>>
    tpu.enqueue_dma source(%dma_start3A_800 : memref<32x1024xf32, #tpu.memory_space<vmem>>) target(%dma_start3A_796 : memref<32x1024xf32, #tpu.memory_space<hbm>>) target_semaphore(%dma_start3A_794 : memref<!tpu.dma_semaphore, #tpu.memory_space<semaphore_mem>>)
    %dma_wait3A_801 = arith.constant 1 : i32
    %dma_wait3A_802 = arith.constant 1 : i32
    %dma_wait3A_803 = arith.constant 0 : i32
    %dma_wait3A_804 = arith.constant 0 : i32
    %dma_wait3A_805 = tpu.memref_slice %arg4[%dma_wait3A_801, %dma_wait3A_803, %dma_wait3A_804] : memref<2x32x1024xf32, #tpu.memory_space<vmem>> -> memref<1x32x1024xf32, #tpu.memory_space<vmem>>
    %dma_wait3A_806 = tpu.memref_squeeze %dma_wait3A_805 : memref<1x32x1024xf32, #tpu.memory_space<vmem>> -> memref<32x1024xf32, #tpu.memory_space<vmem>>
    %dma_wait3A_807 = arith.constant 0 : i32
    %dma_wait3A_808 = tpu.memref_slice %arg3[%add3A_26, %dma_wait3A_807] : memref<16384x1024xf32, #tpu.memory_space<hbm>> -> memref<32x1024xf32, #tpu.memory_space<hbm>>
    %dma_wait3A_809 = tpu.memref_slice %arg6[%dma_wait3A_802] : memref<2x!tpu.dma_semaphore, #tpu.memory_space<semaphore_mem>> -> memref<1x!tpu.dma_semaphore, #tpu.memory_space<semaphore_mem>>
    %dma_wait3A_810 = tpu.memref_squeeze %dma_wait3A_809 : memref<1x!tpu.dma_semaphore, #tpu.memory_space<semaphore_mem>> -> memref<!tpu.dma_semaphore, #tpu.memory_space<semaphore_mem>>
    %dma_wait3A_811 = arith.constant 0 : i32
    %dma_wait3A_812 = tpu.memref_slice %arg3[%add3A_26, %dma_wait3A_811] : memref<16384x1024xf32, #tpu.memory_space<hbm>> -> memref<32x1024xf32, #tpu.memory_space<hbm>>
    %dma_wait3A_813 = arith.constant 0 : i32
    %dma_wait3A_814 = arith.constant 0 : i32
    %dma_wait3A_815 = tpu.memref_slice %arg4[%dma_wait3A_801, %dma_wait3A_813, %dma_wait3A_814] : memref<2x32x1024xf32, #tpu.memory_space<vmem>> -> memref<1x32x1024xf32, #tpu.memory_space<vmem>>
    %dma_wait3A_816 = tpu.memref_squeeze %dma_wait3A_815 : memref<1x32x1024xf32, #tpu.memory_space<vmem>> -> memref<32x1024xf32, #tpu.memory_space<vmem>>
    tpu.wait_dma2 semaphore(%dma_wait3A_810 : memref<!tpu.dma_semaphore, #tpu.memory_space<semaphore_mem>>) src(%dma_wait3A_816 : memref<32x1024xf32, #tpu.memory_space<vmem>>) dst(%dma_wait3A_812 : memref<32x1024xf32, #tpu.memory_space<hbm>>)
    %dma_start3A_817 = arith.constant 1 : i32
    %dma_start3A_818 = arith.constant 1 : i32
    %dma_start3A_819 = arith.constant 0 : i32
    %dma_start3A_820 = arith.constant 0 : i32
    %dma_start3A_821 = tpu.memref_slice %arg4[%dma_start3A_817, %dma_start3A_819, %dma_start3A_820] : memref<2x32x1024xf32, #tpu.memory_space<vmem>> -> memref<1x32x1024xf32, #tpu.memory_space<vmem>>
    %dma_start3A_822 = tpu.memref_squeeze %dma_start3A_821 : memref<1x32x1024xf32, #tpu.memory_space<vmem>> -> memref<32x1024xf32, #tpu.memory_space<vmem>>
    %dma_start3A_823 = arith.constant 0 : i32
    %dma_start3A_824 = tpu.memref_slice %arg2[%add3A_30, %dma_start3A_823] : memref<16384x1024xf32, #tpu.memory_space<hbm>> -> memref<32x1024xf32, #tpu.memory_space<hbm>>
    %dma_start3A_825 = tpu.memref_slice %arg5[%dma_start3A_818] : memref<2x!tpu.dma_semaphore, #tpu.memory_space<semaphore_mem>> -> memref<1x!tpu.dma_semaphore, #tpu.memory_space<semaphore_mem>>
    %dma_start3A_826 = tpu.memref_squeeze %dma_start3A_825 : memref<1x!tpu.dma_semaphore, #tpu.memory_space<semaphore_mem>> -> memref<!tpu.dma_semaphore, #tpu.memory_space<semaphore_mem>>
    %dma_start3A_827 = arith.constant 0 : i32
    %dma_start3A_828 = arith.constant 0 : i32
    %dma_start3A_829 = tpu.memref_slice %arg4[%dma_start3A_817, %dma_start3A_827, %dma_start3A_828] : memref<2x32x1024xf32, #tpu.memory_space<vmem>> -> memref<1x32x1024xf32, #tpu.memory_space<vmem>>
    %dma_start3A_830 = tpu.memref_squeeze %dma_start3A_829 : memref<1x32x1024xf32, #tpu.memory_space<vmem>> -> memref<32x1024xf32, #tpu.memory_space<vmem>>
    %dma_start3A_831 = arith.constant 0 : i32
    %dma_start3A_832 = tpu.memref_slice %arg2[%add3A_30, %dma_start3A_831] : memref<16384x1024xf32, #tpu.memory_space<hbm>> -> memref<32x1024xf32, #tpu.memory_space<hbm>>
    tpu.enqueue_dma source(%dma_start3A_832 : memref<32x1024xf32, #tpu.memory_space<hbm>>) target(%dma_start3A_830 : memref<32x1024xf32, #tpu.memory_space<vmem>>) target_semaphore(%dma_start3A_826 : memref<!tpu.dma_semaphore, #tpu.memory_space<semaphore_mem>>)
    %dma_wait3A_833 = arith.constant 0 : i32
    %dma_wait3A_834 = arith.constant 0 : i32
    %dma_wait3A_835 = arith.constant 0 : i32
    %dma_wait3A_836 = arith.constant 0 : i32
    %dma_wait3A_837 = tpu.memref_slice %arg4[%dma_wait3A_833, %dma_wait3A_835, %dma_wait3A_836] : memref<2x32x1024xf32, #tpu.memory_space<vmem>> -> memref<1x32x1024xf32, #tpu.memory_space<vmem>>
    %dma_wait3A_838 = tpu.memref_squeeze %dma_wait3A_837 : memref<1x32x1024xf32, #tpu.memory_space<vmem>> -> memref<32x1024xf32, #tpu.memory_space<vmem>>
    %dma_wait3A_839 = arith.constant 0 : i32
    %dma_wait3A_840 = tpu.memref_slice %arg2[%add3A_28, %dma_wait3A_839] : memref<16384x1024xf32, #tpu.memory_space<hbm>> -> memref<32x1024xf32, #tpu.memory_space<hbm>>
    %dma_wait3A_841 = tpu.memref_slice %arg5[%dma_wait3A_834] : memref<2x!tpu.dma_semaphore, #tpu.memory_space<semaphore_mem>> -> memref<1x!tpu.dma_semaphore, #tpu.memory_space<semaphore_mem>>
    %dma_wait3A_842 = tpu.memref_squeeze %dma_wait3A_841 : memref<1x!tpu.dma_semaphore, #tpu.memory_space<semaphore_mem>> -> memref<!tpu.dma_semaphore, #tpu.memory_space<semaphore_mem>>
    %dma_wait3A_843 = arith.constant 0 : i32
    %dma_wait3A_844 = arith.constant 0 : i32
    %dma_wait3A_845 = tpu.memref_slice %arg4[%dma_wait3A_833, %dma_wait3A_843, %dma_wait3A_844] : memref<2x32x1024xf32, #tpu.memory_space<vmem>> -> memref<1x32x1024xf32, #tpu.memory_space<vmem>>
    %dma_wait3A_846 = tpu.memref_squeeze %dma_wait3A_845 : memref<1x32x1024xf32, #tpu.memory_space<vmem>> -> memref<32x1024xf32, #tpu.memory_space<vmem>>
    %dma_wait3A_847 = arith.constant 0 : i32
    %dma_wait3A_848 = tpu.memref_slice %arg2[%add3A_28, %dma_wait3A_847] : memref<16384x1024xf32, #tpu.memory_space<hbm>> -> memref<32x1024xf32, #tpu.memory_space<hbm>>
    tpu.wait_dma2 semaphore(%dma_wait3A_842 : memref<!tpu.dma_semaphore, #tpu.memory_space<semaphore_mem>>) src(%dma_wait3A_848 : memref<32x1024xf32, #tpu.memory_space<hbm>>) dst(%dma_wait3A_846 : memref<32x1024xf32, #tpu.memory_space<vmem>>)
    %dma_start3A_849 = arith.constant 0 : i32
    %dma_start3A_850 = arith.constant 0 : i32
    %dma_start3A_851 = arith.constant 0 : i32
    %dma_start3A_852 = arith.constant 0 : i32
    %dma_start3A_853 = tpu.memref_slice %arg4[%dma_start3A_849, %dma_start3A_851, %dma_start3A_852] : memref<2x32x1024xf32, #tpu.memory_space<vmem>> -> memref<1x32x1024xf32, #tpu.memory_space<vmem>>
    %dma_start3A_854 = tpu.memref_squeeze %dma_start3A_853 : memref<1x32x1024xf32, #tpu.memory_space<vmem>> -> memref<32x1024xf32, #tpu.memory_space<vmem>>
    %dma_start3A_855 = arith.constant 0 : i32
    %dma_start3A_856 = tpu.memref_slice %arg3[%add3A_28, %dma_start3A_855] : memref<16384x1024xf32, #tpu.memory_space<hbm>> -> memref<32x1024xf32, #tpu.memory_space<hbm>>
    %dma_start3A_857 = tpu.memref_slice %arg6[%dma_start3A_850] : memref<2x!tpu.dma_semaphore, #tpu.memory_space<semaphore_mem>> -> memref<1x!tpu.dma_semaphore, #tpu.memory_space<semaphore_mem>>
    %dma_start3A_858 = tpu.memref_squeeze %dma_start3A_857 : memref<1x!tpu.dma_semaphore, #tpu.memory_space<semaphore_mem>> -> memref<!tpu.dma_semaphore, #tpu.memory_space<semaphore_mem>>
    %dma_start3A_859 = arith.constant 0 : i32
    %dma_start3A_860 = tpu.memref_slice %arg3[%add3A_28, %dma_start3A_859] : memref<16384x1024xf32, #tpu.memory_space<hbm>> -> memref<32x1024xf32, #tpu.memory_space<hbm>>
    %dma_start3A_861 = arith.constant 0 : i32
    %dma_start3A_862 = arith.constant 0 : i32
    %dma_start3A_863 = tpu.memref_slice %arg4[%dma_start3A_849, %dma_start3A_861, %dma_start3A_862] : memref<2x32x1024xf32, #tpu.memory_space<vmem>> -> memref<1x32x1024xf32, #tpu.memory_space<vmem>>
    %dma_start3A_864 = tpu.memref_squeeze %dma_start3A_863 : memref<1x32x1024xf32, #tpu.memory_space<vmem>> -> memref<32x1024xf32, #tpu.memory_space<vmem>>
    tpu.enqueue_dma source(%dma_start3A_864 : memref<32x1024xf32, #tpu.memory_space<vmem>>) target(%dma_start3A_860 : memref<32x1024xf32, #tpu.memory_space<hbm>>) target_semaphore(%dma_start3A_858 : memref<!tpu.dma_semaphore, #tpu.memory_space<semaphore_mem>>)
    %dma_wait3A_865 = arith.constant 0 : i32
    %dma_wait3A_866 = arith.constant 0 : i32
    %dma_wait3A_867 = arith.constant 0 : i32
    %dma_wait3A_868 = arith.constant 0 : i32
    %dma_wait3A_869 = tpu.memref_slice %arg4[%dma_wait3A_865, %dma_wait3A_867, %dma_wait3A_868] : memref<2x32x1024xf32, #tpu.memory_space<vmem>> -> memref<1x32x1024xf32, #tpu.memory_space<vmem>>
    %dma_wait3A_870 = tpu.memref_squeeze %dma_wait3A_869 : memref<1x32x1024xf32, #tpu.memory_space<vmem>> -> memref<32x1024xf32, #tpu.memory_space<vmem>>
    %dma_wait3A_871 = arith.constant 0 : i32
    %dma_wait3A_872 = tpu.memref_slice %arg3[%add3A_28, %dma_wait3A_871] : memref<16384x1024xf32, #tpu.memory_space<hbm>> -> memref<32x1024xf32, #tpu.memory_space<hbm>>
    %dma_wait3A_873 = tpu.memref_slice %arg6[%dma_wait3A_866] : memref<2x!tpu.dma_semaphore, #tpu.memory_space<semaphore_mem>> -> memref<1x!tpu.dma_semaphore, #tpu.memory_space<semaphore_mem>>
    %dma_wait3A_874 = tpu.memref_squeeze %dma_wait3A_873 : memref<1x!tpu.dma_semaphore, #tpu.memory_space<semaphore_mem>> -> memref<!tpu.dma_semaphore, #tpu.memory_space<semaphore_mem>>
    %dma_wait3A_875 = arith.constant 0 : i32
    %dma_wait3A_876 = tpu.memref_slice %arg3[%add3A_28, %dma_wait3A_875] : memref<16384x1024xf32, #tpu.memory_space<hbm>> -> memref<32x1024xf32, #tpu.memory_space<hbm>>
    %dma_wait3A_877 = arith.constant 0 : i32
    %dma_wait3A_878 = arith.constant 0 : i32
    %dma_wait3A_879 = tpu.memref_slice %arg4[%dma_wait3A_865, %dma_wait3A_877, %dma_wait3A_878] : memref<2x32x1024xf32, #tpu.memory_space<vmem>> -> memref<1x32x1024xf32, #tpu.memory_space<vmem>>
    %dma_wait3A_880 = tpu.memref_squeeze %dma_wait3A_879 : memref<1x32x1024xf32, #tpu.memory_space<vmem>> -> memref<32x1024xf32, #tpu.memory_space<vmem>>
    tpu.wait_dma2 semaphore(%dma_wait3A_874 : memref<!tpu.dma_semaphore, #tpu.memory_space<semaphore_mem>>) src(%dma_wait3A_880 : memref<32x1024xf32, #tpu.memory_space<vmem>>) dst(%dma_wait3A_876 : memref<32x1024xf32, #tpu.memory_space<hbm>>)
    %dma_start3A_881 = arith.constant 0 : i32
    %dma_start3A_882 = arith.constant 0 : i32
    %dma_start3A_883 = arith.constant 0 : i32
    %dma_start3A_884 = arith.constant 0 : i32
    %dma_start3A_885 = tpu.memref_slice %arg4[%dma_start3A_881, %dma_start3A_883, %dma_start3A_884] : memref<2x32x1024xf32, #tpu.memory_space<vmem>> -> memref<1x32x1024xf32, #tpu.memory_space<vmem>>
    %dma_start3A_886 = tpu.memref_squeeze %dma_start3A_885 : memref<1x32x1024xf32, #tpu.memory_space<vmem>> -> memref<32x1024xf32, #tpu.memory_space<vmem>>
    %dma_start3A_887 = arith.constant 0 : i32
    %dma_start3A_888 = tpu.memref_slice %arg2[%add3A_32, %dma_start3A_887] : memref<16384x1024xf32, #tpu.memory_space<hbm>> -> memref<32x1024xf32, #tpu.memory_space<hbm>>
    %dma_start3A_889 = tpu.memref_slice %arg5[%dma_start3A_882] : memref<2x!tpu.dma_semaphore, #tpu.memory_space<semaphore_mem>> -> memref<1x!tpu.dma_semaphore, #tpu.memory_space<semaphore_mem>>
    %dma_start3A_890 = tpu.memref_squeeze %dma_start3A_889 : memref<1x!tpu.dma_semaphore, #tpu.memory_space<semaphore_mem>> -> memref<!tpu.dma_semaphore, #tpu.memory_space<semaphore_mem>>
    %dma_start3A_891 = arith.constant 0 : i32
    %dma_start3A_892 = arith.constant 0 : i32
    %dma_start3A_893 = tpu.memref_slice %arg4[%dma_start3A_881, %dma_start3A_891, %dma_start3A_892] : memref<2x32x1024xf32, #tpu.memory_space<vmem>> -> memref<1x32x1024xf32, #tpu.memory_space<vmem>>
    %dma_start3A_894 = tpu.memref_squeeze %dma_start3A_893 : memref<1x32x1024xf32, #tpu.memory_space<vmem>> -> memref<32x1024xf32, #tpu.memory_space<vmem>>
    %dma_start3A_895 = arith.constant 0 : i32
    %dma_start3A_896 = tpu.memref_slice %arg2[%add3A_32, %dma_start3A_895] : memref<16384x1024xf32, #tpu.memory_space<hbm>> -> memref<32x1024xf32, #tpu.memory_space<hbm>>
    tpu.enqueue_dma source(%dma_start3A_896 : memref<32x1024xf32, #tpu.memory_space<hbm>>) target(%dma_start3A_894 : memref<32x1024xf32, #tpu.memory_space<vmem>>) target_semaphore(%dma_start3A_890 : memref<!tpu.dma_semaphore, #tpu.memory_space<semaphore_mem>>)
    %dma_wait3A_897 = arith.constant 1 : i32
    %dma_wait3A_898 = arith.constant 1 : i32
    %dma_wait3A_899 = arith.constant 0 : i32
    %dma_wait3A_900 = arith.constant 0 : i32
    %dma_wait3A_901 = tpu.memref_slice %arg4[%dma_wait3A_897, %dma_wait3A_899, %dma_wait3A_900] : memref<2x32x1024xf32, #tpu.memory_space<vmem>> -> memref<1x32x1024xf32, #tpu.memory_space<vmem>>
    %dma_wait3A_902 = tpu.memref_squeeze %dma_wait3A_901 : memref<1x32x1024xf32, #tpu.memory_space<vmem>> -> memref<32x1024xf32, #tpu.memory_space<vmem>>
    %dma_wait3A_903 = arith.constant 0 : i32
    %dma_wait3A_904 = tpu.memref_slice %arg2[%add3A_30, %dma_wait3A_903] : memref<16384x1024xf32, #tpu.memory_space<hbm>> -> memref<32x1024xf32, #tpu.memory_space<hbm>>
    %dma_wait3A_905 = tpu.memref_slice %arg5[%dma_wait3A_898] : memref<2x!tpu.dma_semaphore, #tpu.memory_space<semaphore_mem>> -> memref<1x!tpu.dma_semaphore, #tpu.memory_space<semaphore_mem>>
    %dma_wait3A_906 = tpu.memref_squeeze %dma_wait3A_905 : memref<1x!tpu.dma_semaphore, #tpu.memory_space<semaphore_mem>> -> memref<!tpu.dma_semaphore, #tpu.memory_space<semaphore_mem>>
    %dma_wait3A_907 = arith.constant 0 : i32
    %dma_wait3A_908 = arith.constant 0 : i32
    %dma_wait3A_909 = tpu.memref_slice %arg4[%dma_wait3A_897, %dma_wait3A_907, %dma_wait3A_908] : memref<2x32x1024xf32, #tpu.memory_space<vmem>> -> memref<1x32x1024xf32, #tpu.memory_space<vmem>>
    %dma_wait3A_910 = tpu.memref_squeeze %dma_wait3A_909 : memref<1x32x1024xf32, #tpu.memory_space<vmem>> -> memref<32x1024xf32, #tpu.memory_space<vmem>>
    %dma_wait3A_911 = arith.constant 0 : i32
    %dma_wait3A_912 = tpu.memref_slice %arg2[%add3A_30, %dma_wait3A_911] : memref<16384x1024xf32, #tpu.memory_space<hbm>> -> memref<32x1024xf32, #tpu.memory_space<hbm>>
    tpu.wait_dma2 semaphore(%dma_wait3A_906 : memref<!tpu.dma_semaphore, #tpu.memory_space<semaphore_mem>>) src(%dma_wait3A_912 : memref<32x1024xf32, #tpu.memory_space<hbm>>) dst(%dma_wait3A_910 : memref<32x1024xf32, #tpu.memory_space<vmem>>)
    %dma_start3A_913 = arith.constant 1 : i32
    %dma_start3A_914 = arith.constant 1 : i32
    %dma_start3A_915 = arith.constant 0 : i32
    %dma_start3A_916 = arith.constant 0 : i32
    %dma_start3A_917 = tpu.memref_slice %arg4[%dma_start3A_913, %dma_start3A_915, %dma_start3A_916] : memref<2x32x1024xf32, #tpu.memory_space<vmem>> -> memref<1x32x1024xf32, #tpu.memory_space<vmem>>
    %dma_start3A_918 = tpu.memref_squeeze %dma_start3A_917 : memref<1x32x1024xf32, #tpu.memory_space<vmem>> -> memref<32x1024xf32, #tpu.memory_space<vmem>>
    %dma_start3A_919 = arith.constant 0 : i32
    %dma_start3A_920 = tpu.memref_slice %arg3[%add3A_30, %dma_start3A_919] : memref<16384x1024xf32, #tpu.memory_space<hbm>> -> memref<32x1024xf32, #tpu.memory_space<hbm>>
    %dma_start3A_921 = tpu.memref_slice %arg6[%dma_start3A_914] : memref<2x!tpu.dma_semaphore, #tpu.memory_space<semaphore_mem>> -> memref<1x!tpu.dma_semaphore, #tpu.memory_space<semaphore_mem>>
    %dma_start3A_922 = tpu.memref_squeeze %dma_start3A_921 : memref<1x!tpu.dma_semaphore, #tpu.memory_space<semaphore_mem>> -> memref<!tpu.dma_semaphore, #tpu.memory_space<semaphore_mem>>
    %dma_start3A_923 = arith.constant 0 : i32
    %dma_start3A_924 = tpu.memref_slice %arg3[%add3A_30, %dma_start3A_923] : memref<16384x1024xf32, #tpu.memory_space<hbm>> -> memref<32x1024xf32, #tpu.memory_space<hbm>>
    %dma_start3A_925 = arith.constant 0 : i32
    %dma_start3A_926 = arith.constant 0 : i32
    %dma_start3A_927 = tpu.memref_slice %arg4[%dma_start3A_913, %dma_start3A_925, %dma_start3A_926] : memref<2x32x1024xf32, #tpu.memory_space<vmem>> -> memref<1x32x1024xf32, #tpu.memory_space<vmem>>
    %dma_start3A_928 = tpu.memref_squeeze %dma_start3A_927 : memref<1x32x1024xf32, #tpu.memory_space<vmem>> -> memref<32x1024xf32, #tpu.memory_space<vmem>>
    tpu.enqueue_dma source(%dma_start3A_928 : memref<32x1024xf32, #tpu.memory_space<vmem>>) target(%dma_start3A_924 : memref<32x1024xf32, #tpu.memory_space<hbm>>) target_semaphore(%dma_start3A_922 : memref<!tpu.dma_semaphore, #tpu.memory_space<semaphore_mem>>)
    %dma_wait3A_929 = arith.constant 1 : i32
    %dma_wait3A_930 = arith.constant 1 : i32
    %dma_wait3A_931 = arith.constant 0 : i32
    %dma_wait3A_932 = arith.constant 0 : i32
    %dma_wait3A_933 = tpu.memref_slice %arg4[%dma_wait3A_929, %dma_wait3A_931, %dma_wait3A_932] : memref<2x32x1024xf32, #tpu.memory_space<vmem>> -> memref<1x32x1024xf32, #tpu.memory_space<vmem>>
    %dma_wait3A_934 = tpu.memref_squeeze %dma_wait3A_933 : memref<1x32x1024xf32, #tpu.memory_space<vmem>> -> memref<32x1024xf32, #tpu.memory_space<vmem>>
    %dma_wait3A_935 = arith.constant 0 : i32
    %dma_wait3A_936 = tpu.memref_slice %arg3[%add3A_30, %dma_wait3A_935] : memref<16384x1024xf32, #tpu.memory_space<hbm>> -> memref<32x1024xf32, #tpu.memory_space<hbm>>
    %dma_wait3A_937 = tpu.memref_slice %arg6[%dma_wait3A_930] : memref<2x!tpu.dma_semaphore, #tpu.memory_space<semaphore_mem>> -> memref<1x!tpu.dma_semaphore, #tpu.memory_space<semaphore_mem>>
    %dma_wait3A_938 = tpu.memref_squeeze %dma_wait3A_937 : memref<1x!tpu.dma_semaphore, #tpu.memory_space<semaphore_mem>> -> memref<!tpu.dma_semaphore, #tpu.memory_space<semaphore_mem>>
    %dma_wait3A_939 = arith.constant 0 : i32
    %dma_wait3A_940 = tpu.memref_slice %arg3[%add3A_30, %dma_wait3A_939] : memref<16384x1024xf32, #tpu.memory_space<hbm>> -> memref<32x1024xf32, #tpu.memory_space<hbm>>
    %dma_wait3A_941 = arith.constant 0 : i32
    %dma_wait3A_942 = arith.constant 0 : i32
    %dma_wait3A_943 = tpu.memref_slice %arg4[%dma_wait3A_929, %dma_wait3A_941, %dma_wait3A_942] : memref<2x32x1024xf32, #tpu.memory_space<vmem>> -> memref<1x32x1024xf32, #tpu.memory_space<vmem>>
    %dma_wait3A_944 = tpu.memref_squeeze %dma_wait3A_943 : memref<1x32x1024xf32, #tpu.memory_space<vmem>> -> memref<32x1024xf32, #tpu.memory_space<vmem>>
    tpu.wait_dma2 semaphore(%dma_wait3A_938 : memref<!tpu.dma_semaphore, #tpu.memory_space<semaphore_mem>>) src(%dma_wait3A_944 : memref<32x1024xf32, #tpu.memory_space<vmem>>) dst(%dma_wait3A_940 : memref<32x1024xf32, #tpu.memory_space<hbm>>)
    %dma_start3A_945 = arith.constant 1 : i32
    %dma_start3A_946 = arith.constant 1 : i32
    %dma_start3A_947 = arith.constant 0 : i32
    %dma_start3A_948 = arith.constant 0 : i32
    %dma_start3A_949 = tpu.memref_slice %arg4[%dma_start3A_945, %dma_start3A_947, %dma_start3A_948] : memref<2x32x1024xf32, #tpu.memory_space<vmem>> -> memref<1x32x1024xf32, #tpu.memory_space<vmem>>
    %dma_start3A_950 = tpu.memref_squeeze %dma_start3A_949 : memref<1x32x1024xf32, #tpu.memory_space<vmem>> -> memref<32x1024xf32, #tpu.memory_space<vmem>>
    %dma_start3A_951 = arith.constant 0 : i32
    %dma_start3A_952 = tpu.memref_slice %arg2[%add3A_34, %dma_start3A_951] : memref<16384x1024xf32, #tpu.memory_space<hbm>> -> memref<32x1024xf32, #tpu.memory_space<hbm>>
    %dma_start3A_953 = tpu.memref_slice %arg5[%dma_start3A_946] : memref<2x!tpu.dma_semaphore, #tpu.memory_space<semaphore_mem>> -> memref<1x!tpu.dma_semaphore, #tpu.memory_space<semaphore_mem>>
    %dma_start3A_954 = tpu.memref_squeeze %dma_start3A_953 : memref<1x!tpu.dma_semaphore, #tpu.memory_space<semaphore_mem>> -> memref<!tpu.dma_semaphore, #tpu.memory_space<semaphore_mem>>
    %dma_start3A_955 = arith.constant 0 : i32
    %dma_start3A_956 = arith.constant 0 : i32
    %dma_start3A_957 = tpu.memref_slice %arg4[%dma_start3A_945, %dma_start3A_955, %dma_start3A_956] : memref<2x32x1024xf32, #tpu.memory_space<vmem>> -> memref<1x32x1024xf32, #tpu.memory_space<vmem>>
    %dma_start3A_958 = tpu.memref_squeeze %dma_start3A_957 : memref<1x32x1024xf32, #tpu.memory_space<vmem>> -> memref<32x1024xf32, #tpu.memory_space<vmem>>
    %dma_start3A_959 = arith.constant 0 : i32
    %dma_start3A_960 = tpu.memref_slice %arg2[%add3A_34, %dma_start3A_959] : memref<16384x1024xf32, #tpu.memory_space<hbm>> -> memref<32x1024xf32, #tpu.memory_space<hbm>>
    tpu.enqueue_dma source(%dma_start3A_960 : memref<32x1024xf32, #tpu.memory_space<hbm>>) target(%dma_start3A_958 : memref<32x1024xf32, #tpu.memory_space<vmem>>) target_semaphore(%dma_start3A_954 : memref<!tpu.dma_semaphore, #tpu.memory_space<semaphore_mem>>)
    %dma_wait3A_961 = arith.constant 0 : i32
    %dma_wait3A_962 = arith.constant 0 : i32
    %dma_wait3A_963 = arith.constant 0 : i32
    %dma_wait3A_964 = arith.constant 0 : i32
    %dma_wait3A_965 = tpu.memref_slice %arg4[%dma_wait3A_961, %dma_wait3A_963, %dma_wait3A_964] : memref<2x32x1024xf32, #tpu.memory_space<vmem>> -> memref<1x32x1024xf32, #tpu.memory_space<vmem>>
    %dma_wait3A_966 = tpu.memref_squeeze %dma_wait3A_965 : memref<1x32x1024xf32, #tpu.memory_space<vmem>> -> memref<32x1024xf32, #tpu.memory_space<vmem>>
    %dma_wait3A_967 = arith.constant 0 : i32
    %dma_wait3A_968 = tpu.memref_slice %arg2[%add3A_32, %dma_wait3A_967] : memref<16384x1024xf32, #tpu.memory_space<hbm>> -> memref<32x1024xf32, #tpu.memory_space<hbm>>
    %dma_wait3A_969 = tpu.memref_slice %arg5[%dma_wait3A_962] : memref<2x!tpu.dma_semaphore, #tpu.memory_space<semaphore_mem>> -> memref<1x!tpu.dma_semaphore, #tpu.memory_space<semaphore_mem>>
    %dma_wait3A_970 = tpu.memref_squeeze %dma_wait3A_969 : memref<1x!tpu.dma_semaphore, #tpu.memory_space<semaphore_mem>> -> memref<!tpu.dma_semaphore, #tpu.memory_space<semaphore_mem>>
    %dma_wait3A_971 = arith.constant 0 : i32
    %dma_wait3A_972 = arith.constant 0 : i32
    %dma_wait3A_973 = tpu.memref_slice %arg4[%dma_wait3A_961, %dma_wait3A_971, %dma_wait3A_972] : memref<2x32x1024xf32, #tpu.memory_space<vmem>> -> memref<1x32x1024xf32, #tpu.memory_space<vmem>>
    %dma_wait3A_974 = tpu.memref_squeeze %dma_wait3A_973 : memref<1x32x1024xf32, #tpu.memory_space<vmem>> -> memref<32x1024xf32, #tpu.memory_space<vmem>>
    %dma_wait3A_975 = arith.constant 0 : i32
    %dma_wait3A_976 = tpu.memref_slice %arg2[%add3A_32, %dma_wait3A_975] : memref<16384x1024xf32, #tpu.memory_space<hbm>> -> memref<32x1024xf32, #tpu.memory_space<hbm>>
    tpu.wait_dma2 semaphore(%dma_wait3A_970 : memref<!tpu.dma_semaphore, #tpu.memory_space<semaphore_mem>>) src(%dma_wait3A_976 : memref<32x1024xf32, #tpu.memory_space<hbm>>) dst(%dma_wait3A_974 : memref<32x1024xf32, #tpu.memory_space<vmem>>)
    %dma_start3A_977 = arith.constant 0 : i32
    %dma_start3A_978 = arith.constant 0 : i32
    %dma_start3A_979 = arith.constant 0 : i32
    %dma_start3A_980 = arith.constant 0 : i32
    %dma_start3A_981 = tpu.memref_slice %arg4[%dma_start3A_977, %dma_start3A_979, %dma_start3A_980] : memref<2x32x1024xf32, #tpu.memory_space<vmem>> -> memref<1x32x1024xf32, #tpu.memory_space<vmem>>
    %dma_start3A_982 = tpu.memref_squeeze %dma_start3A_981 : memref<1x32x1024xf32, #tpu.memory_space<vmem>> -> memref<32x1024xf32, #tpu.memory_space<vmem>>
    %dma_start3A_983 = arith.constant 0 : i32
    %dma_start3A_984 = tpu.memref_slice %arg3[%add3A_32, %dma_start3A_983] : memref<16384x1024xf32, #tpu.memory_space<hbm>> -> memref<32x1024xf32, #tpu.memory_space<hbm>>
    %dma_start3A_985 = tpu.memref_slice %arg6[%dma_start3A_978] : memref<2x!tpu.dma_semaphore, #tpu.memory_space<semaphore_mem>> -> memref<1x!tpu.dma_semaphore, #tpu.memory_space<semaphore_mem>>
    %dma_start3A_986 = tpu.memref_squeeze %dma_start3A_985 : memref<1x!tpu.dma_semaphore, #tpu.memory_space<semaphore_mem>> -> memref<!tpu.dma_semaphore, #tpu.memory_space<semaphore_mem>>
    %dma_start3A_987 = arith.constant 0 : i32
    %dma_start3A_988 = tpu.memref_slice %arg3[%add3A_32, %dma_start3A_987] : memref<16384x1024xf32, #tpu.memory_space<hbm>> -> memref<32x1024xf32, #tpu.memory_space<hbm>>
    %dma_start3A_989 = arith.constant 0 : i32
    %dma_start3A_990 = arith.constant 0 : i32
    %dma_start3A_991 = tpu.memref_slice %arg4[%dma_start3A_977, %dma_start3A_989, %dma_start3A_990] : memref<2x32x1024xf32, #tpu.memory_space<vmem>> -> memref<1x32x1024xf32, #tpu.memory_space<vmem>>
    %dma_start3A_992 = tpu.memref_squeeze %dma_start3A_991 : memref<1x32x1024xf32, #tpu.memory_space<vmem>> -> memref<32x1024xf32, #tpu.memory_space<vmem>>
    tpu.enqueue_dma source(%dma_start3A_992 : memref<32x1024xf32, #tpu.memory_space<vmem>>) target(%dma_start3A_988 : memref<32x1024xf32, #tpu.memory_space<hbm>>) target_semaphore(%dma_start3A_986 : memref<!tpu.dma_semaphore, #tpu.memory_space<semaphore_mem>>)
    %dma_wait3A_993 = arith.constant 1 : i32
    %dma_wait3A_994 = arith.constant 1 : i32
    %dma_wait3A_995 = arith.constant 0 : i32
    %dma_wait3A_996 = arith.constant 0 : i32
    %dma_wait3A_997 = tpu.memref_slice %arg4[%dma_wait3A_993, %dma_wait3A_995, %dma_wait3A_996] : memref<2x32x1024xf32, #tpu.memory_space<vmem>> -> memref<1x32x1024xf32, #tpu.memory_space<vmem>>
    %dma_wait3A_998 = tpu.memref_squeeze %dma_wait3A_997 : memref<1x32x1024xf32, #tpu.memory_space<vmem>> -> memref<32x1024xf32, #tpu.memory_space<vmem>>
    %dma_wait3A_999 = arith.constant 0 : i32
    %dma_wait3A_1000 = tpu.memref_slice %arg2[%add3A_34, %dma_wait3A_999] : memref<16384x1024xf32, #tpu.memory_space<hbm>> -> memref<32x1024xf32, #tpu.memory_space<hbm>>
    %dma_wait3A_1001 = tpu.memref_slice %arg5[%dma_wait3A_994] : memref<2x!tpu.dma_semaphore, #tpu.memory_space<semaphore_mem>> -> memref<1x!tpu.dma_semaphore, #tpu.memory_space<semaphore_mem>>
    %dma_wait3A_1002 = tpu.memref_squeeze %dma_wait3A_1001 : memref<1x!tpu.dma_semaphore, #tpu.memory_space<semaphore_mem>> -> memref<!tpu.dma_semaphore, #tpu.memory_space<semaphore_mem>>
    %dma_wait3A_1003 = arith.constant 0 : i32
    %dma_wait3A_1004 = arith.constant 0 : i32
    %dma_wait3A_1005 = tpu.memref_slice %arg4[%dma_wait3A_993, %dma_wait3A_1003, %dma_wait3A_1004] : memref<2x32x1024xf32, #tpu.memory_space<vmem>> -> memref<1x32x1024xf32, #tpu.memory_space<vmem>>
    %dma_wait3A_1006 = tpu.memref_squeeze %dma_wait3A_1005 : memref<1x32x1024xf32, #tpu.memory_space<vmem>> -> memref<32x1024xf32, #tpu.memory_space<vmem>>
    %dma_wait3A_1007 = arith.constant 0 : i32
    %dma_wait3A_1008 = tpu.memref_slice %arg2[%add3A_34, %dma_wait3A_1007] : memref<16384x1024xf32, #tpu.memory_space<hbm>> -> memref<32x1024xf32, #tpu.memory_space<hbm>>
    tpu.wait_dma2 semaphore(%dma_wait3A_1002 : memref<!tpu.dma_semaphore, #tpu.memory_space<semaphore_mem>>) src(%dma_wait3A_1008 : memref<32x1024xf32, #tpu.memory_space<hbm>>) dst(%dma_wait3A_1006 : memref<32x1024xf32, #tpu.memory_space<vmem>>)
    %dma_start3A_1009 = arith.constant 1 : i32
    %dma_start3A_1010 = arith.constant 1 : i32
    %dma_start3A_1011 = arith.constant 0 : i32
    %dma_start3A_1012 = arith.constant 0 : i32
    %dma_start3A_1013 = tpu.memref_slice %arg4[%dma_start3A_1009, %dma_start3A_1011, %dma_start3A_1012] : memref<2x32x1024xf32, #tpu.memory_space<vmem>> -> memref<1x32x1024xf32, #tpu.memory_space<vmem>>
    %dma_start3A_1014 = tpu.memref_squeeze %dma_start3A_1013 : memref<1x32x1024xf32, #tpu.memory_space<vmem>> -> memref<32x1024xf32, #tpu.memory_space<vmem>>
    %dma_start3A_1015 = arith.constant 0 : i32
    %dma_start3A_1016 = tpu.memref_slice %arg3[%add3A_34, %dma_start3A_1015] : memref<16384x1024xf32, #tpu.memory_space<hbm>> -> memref<32x1024xf32, #tpu.memory_space<hbm>>
    %dma_start3A_1017 = tpu.memref_slice %arg6[%dma_start3A_1010] : memref<2x!tpu.dma_semaphore, #tpu.memory_space<semaphore_mem>> -> memref<1x!tpu.dma_semaphore, #tpu.memory_space<semaphore_mem>>
    %dma_start3A_1018 = tpu.memref_squeeze %dma_start3A_1017 : memref<1x!tpu.dma_semaphore, #tpu.memory_space<semaphore_mem>> -> memref<!tpu.dma_semaphore, #tpu.memory_space<semaphore_mem>>
    %dma_start3A_1019 = arith.constant 0 : i32
    %dma_start3A_1020 = tpu.memref_slice %arg3[%add3A_34, %dma_start3A_1019] : memref<16384x1024xf32, #tpu.memory_space<hbm>> -> memref<32x1024xf32, #tpu.memory_space<hbm>>
    %dma_start3A_1021 = arith.constant 0 : i32
    %dma_start3A_1022 = arith.constant 0 : i32
    %dma_start3A_1023 = tpu.memref_slice %arg4[%dma_start3A_1009, %dma_start3A_1021, %dma_start3A_1022] : memref<2x32x1024xf32, #tpu.memory_space<vmem>> -> memref<1x32x1024xf32, #tpu.memory_space<vmem>>
    %dma_start3A_1024 = tpu.memref_squeeze %dma_start3A_1023 : memref<1x32x1024xf32, #tpu.memory_space<vmem>> -> memref<32x1024xf32, #tpu.memory_space<vmem>>
    tpu.enqueue_dma source(%dma_start3A_1024 : memref<32x1024xf32, #tpu.memory_space<vmem>>) target(%dma_start3A_1020 : memref<32x1024xf32, #tpu.memory_space<hbm>>) target_semaphore(%dma_start3A_1018 : memref<!tpu.dma_semaphore, #tpu.memory_space<semaphore_mem>>)
    %dma_wait3A_1025 = arith.constant 0 : i32
    %dma_wait3A_1026 = arith.constant 0 : i32
    %dma_wait3A_1027 = arith.constant 0 : i32
    %dma_wait3A_1028 = arith.constant 0 : i32
    %dma_wait3A_1029 = tpu.memref_slice %arg4[%dma_wait3A_1025, %dma_wait3A_1027, %dma_wait3A_1028] : memref<2x32x1024xf32, #tpu.memory_space<vmem>> -> memref<1x32x1024xf32, #tpu.memory_space<vmem>>
    %dma_wait3A_1030 = tpu.memref_squeeze %dma_wait3A_1029 : memref<1x32x1024xf32, #tpu.memory_space<vmem>> -> memref<32x1024xf32, #tpu.memory_space<vmem>>
    %dma_wait3A_1031 = arith.constant 0 : i32
    %dma_wait3A_1032 = tpu.memref_slice %arg3[%add3A_32, %dma_wait3A_1031] : memref<16384x1024xf32, #tpu.memory_space<hbm>> -> memref<32x1024xf32, #tpu.memory_space<hbm>>
    %dma_wait3A_1033 = tpu.memref_slice %arg6[%dma_wait3A_1026] : memref<2x!tpu.dma_semaphore, #tpu.memory_space<semaphore_mem>> -> memref<1x!tpu.dma_semaphore, #tpu.memory_space<semaphore_mem>>
    %dma_wait3A_1034 = tpu.memref_squeeze %dma_wait3A_1033 : memref<1x!tpu.dma_semaphore, #tpu.memory_space<semaphore_mem>> -> memref<!tpu.dma_semaphore, #tpu.memory_space<semaphore_mem>>
    %dma_wait3A_1035 = arith.constant 0 : i32
    %dma_wait3A_1036 = tpu.memref_slice %arg3[%add3A_32, %dma_wait3A_1035] : memref<16384x1024xf32, #tpu.memory_space<hbm>> -> memref<32x1024xf32, #tpu.memory_space<hbm>>
    %dma_wait3A_1037 = arith.constant 0 : i32
    %dma_wait3A_1038 = arith.constant 0 : i32
    %dma_wait3A_1039 = tpu.memref_slice %arg4[%dma_wait3A_1025, %dma_wait3A_1037, %dma_wait3A_1038] : memref<2x32x1024xf32, #tpu.memory_space<vmem>> -> memref<1x32x1024xf32, #tpu.memory_space<vmem>>
    %dma_wait3A_1040 = tpu.memref_squeeze %dma_wait3A_1039 : memref<1x32x1024xf32, #tpu.memory_space<vmem>> -> memref<32x1024xf32, #tpu.memory_space<vmem>>
    tpu.wait_dma2 semaphore(%dma_wait3A_1034 : memref<!tpu.dma_semaphore, #tpu.memory_space<semaphore_mem>>) src(%dma_wait3A_1040 : memref<32x1024xf32, #tpu.memory_space<vmem>>) dst(%dma_wait3A_1036 : memref<32x1024xf32, #tpu.memory_space<hbm>>)
    %dma_wait3A_1041 = arith.constant 1 : i32
    %dma_wait3A_1042 = arith.constant 1 : i32
    %dma_wait3A_1043 = arith.constant 0 : i32
    %dma_wait3A_1044 = arith.constant 0 : i32
    %dma_wait3A_1045 = tpu.memref_slice %arg4[%dma_wait3A_1041, %dma_wait3A_1043, %dma_wait3A_1044] : memref<2x32x1024xf32, #tpu.memory_space<vmem>> -> memref<1x32x1024xf32, #tpu.memory_space<vmem>>
    %dma_wait3A_1046 = tpu.memref_squeeze %dma_wait3A_1045 : memref<1x32x1024xf32, #tpu.memory_space<vmem>> -> memref<32x1024xf32, #tpu.memory_space<vmem>>
    %dma_wait3A_1047 = arith.constant 0 : i32
    %dma_wait3A_1048 = tpu.memref_slice %arg3[%add3A_34, %dma_wait3A_1047] : memref<16384x1024xf32, #tpu.memory_space<hbm>> -> memref<32x1024xf32, #tpu.memory_space<hbm>>
    %dma_wait3A_1049 = tpu.memref_slice %arg6[%dma_wait3A_1042] : memref<2x!tpu.dma_semaphore, #tpu.memory_space<semaphore_mem>> -> memref<1x!tpu.dma_semaphore, #tpu.memory_space<semaphore_mem>>
    %dma_wait3A_1050 = tpu.memref_squeeze %dma_wait3A_1049 : memref<1x!tpu.dma_semaphore, #tpu.memory_space<semaphore_mem>> -> memref<!tpu.dma_semaphore, #tpu.memory_space<semaphore_mem>>
    %dma_wait3A_1051 = arith.constant 0 : i32
    %dma_wait3A_1052 = tpu.memref_slice %arg3[%add3A_34, %dma_wait3A_1051] : memref<16384x1024xf32, #tpu.memory_space<hbm>> -> memref<32x1024xf32, #tpu.memory_space<hbm>>
    %dma_wait3A_1053 = arith.constant 0 : i32
    %dma_wait3A_1054 = arith.constant 0 : i32
    %dma_wait3A_1055 = tpu.memref_slice %arg4[%dma_wait3A_1041, %dma_wait3A_1053, %dma_wait3A_1054] : memref<2x32x1024xf32, #tpu.memory_space<vmem>> -> memref<1x32x1024xf32, #tpu.memory_space<vmem>>
    %dma_wait3A_1056 = tpu.memref_squeeze %dma_wait3A_1055 : memref<1x32x1024xf32, #tpu.memory_space<vmem>> -> memref<32x1024xf32, #tpu.memory_space<vmem>>
    tpu.wait_dma2 semaphore(%dma_wait3A_1050 : memref<!tpu.dma_semaphore, #tpu.memory_space<semaphore_mem>>) src(%dma_wait3A_1056 : memref<32x1024xf32, #tpu.memory_space<vmem>>) dst(%dma_wait3A_1052 : memref<32x1024xf32, #tpu.memory_space<hbm>>)
    return
  }
}

module attributes {stable_mosaic.version = 14 : i64} {
  func.func @_tc_body(%arg0: i32, %arg1: memref<2048x1024xf32, #tpu.memory_space<vmem>>, %arg2: memref<2048x1024xf32, #tpu.memory_space<vmem>>) attributes {dimension_semantics = [#tpu.dimension_semantics<arbitrary>], iteration_bounds = array<i64: 8>, scalar_prefetch = 0 : i64, scratch_operands = 0 : i64, tpu.core_type = #tpu.core_type<tc>, window_params = [{transform_indices = @transform_0, window_bounds = array<i64: 2048, 1024>}, {transform_indices = @transform_1, window_bounds = array<i64: 2048, 1024>}]} {
    %get3A = arith.constant 0 : index
    %get3A_0 = arith.constant 0 : index
    %get3A_1 = vector.load %arg1[%get3A, %get3A_0] : memref<2048x1024xf32, #tpu.memory_space<vmem>>, vector<2048x1024xf32>
    %swap3A = arith.constant 0 : index
    %swap3A_2 = arith.constant 0 : index
    %swap3A_3 = vector.load %arg2[%swap3A, %swap3A_2] : memref<2048x1024xf32, #tpu.memory_space<vmem>>, vector<2048x1024xf32>
    tpu.vector_store %arg2[%swap3A, %swap3A_2], %get3A_1 {strides = array<i32>} : memref<2048x1024xf32, #tpu.memory_space<vmem>>, vector<2048x1024xf32>,
    return
  }
  func.func @transform_0(%arg0: i32) -> (i32, i32) {
    %c0_i32 = arith.constant 0 : i32
    %c0_i32_0 = arith.constant 0 : i32
    return %arg0, %c0_i32 : i32, i32
  }
  func.func @transform_1(%arg0: i32) -> (i32, i32) {
    %c0_i32 = arith.constant 0 : i32
    %c0_i32_0 = arith.constant 0 : i32
    return %arg0, %c0_i32 : i32, i32
  }
}

</mosaic_0001>

<sc_bundles>
// kernel: kernel.4.cloned.1.call-start
scs
__scs_entry_jumppad:
0x0: {  	(pc) =	sbr.rel $0x88, $3  }
0x1: {  	(tag) =	ssettag $0x0;
	lr =	simm.s32 $0x1  }
0x2: {  	[smem:$0x3F9F] =	sst lr;
	_ =	strace $0xD0000000  }
0x3: {  	_ = 	snop  }
0x4: {  	_ = 	snop  }
0x5: {  	_ = 	snop  }
0x6: {  	_ = 	snop  }
0x7: {  	_ = 	snop  }
__scs_overlays_trampoline_lowered:
0x8: {  	[smem:$0x3FAE] =	sst s0  }
0x9: {  	[smem:$0x3FAF] =	sst s1  }
0xa: {  	[smem:$0x3FB0] =	sst s2  }
0xb: {  	[smem:$0x3FB1] =	sst s3  }
0xc: {  	[smem:$0x3FB2] =	sst s4  }
0xd: {  	[smem:$0x3FB3] =	sst s5  }
0xe: {  	[smem:$0x3FB4] =	sst s6  }
0xf: {  	[smem:$0x3FB5] =	sst s7  }
0x10: {  	[smem:$0x3FB6] =	sst s8  }
0x11: {  	[smem:$0x3FB7] =	sst s9;
	s0 =	simm.s32 @!p0 $0x0  }
0x12: {  	s1 =	sld [smem:$0x3F9D];
	s0 =	simm.s32 @p0 $0x1  }
0x13: {  	[smem:$0x3FB8] =	sst s0;
	s0 =	simm.s32 @!p1 $0x0  }
0x14: {  	s2 =	sld [smem:$0x3F9C];
	s0 =	simm.s32 @p1 $0x1  }
0x15: {  	[smem:$0x3FB9] =	sst s0;
	s0 =	simm.s32 @!p2 $0x0  }
0x16: {  	s3 =	sld [smem:$0x3FDB];
	s0 =	simm.s32 @p2 $0x1  }
0x17: {  	s4 =	simm.s32 $0x1BF5;
	[smem:$0x3FBB] =	sst s0  }
0x18: {  	s0 =	sld [smem:$0x3F9E];
	_ =	swait.ge [sflag:s4], $0x0  }
0x19: {  	s7 =	sld [smem:$0x3F9F]  }
0x1a: {  	s8 =	sadd.s32 $0xFFFFE003, lr  }
0x1b: {  	s9 =	sadd.s32 $0xFFFFFEF7, lr;
	s5 =	simm.s32 $0xFFFFFFFF;
	p2 =	slt.u32 s8, $0xFFFFF086  }
0x1c: {  	p1 =	slt.u32 s9, $0xF7A;
	s5 =	simm.s32 @!p2 $0x0  }
0x1d: {  	s5 =	simm.s32 @p1 $0x1;
	p0 =	seq.s32 s7, s2  }
0x1e: {  	s7 =	smul.u32 @!p0 $0xF7A, s2;
	p2 =	seq.s32 @!p0 s5, $0x0  }
0x1f: {  	s9 =	smul.u32 $0xF7A, s1;
	s8 =	simm.s32 @!p0 $0x1BF5;
	p2 =	por !p2, p0  }
0x20: {  	[sflag:s8] =	ssyncset.s32 @!p0 $0xFFFFF086;
	s6 =	sadd.s32 @!p0 s3, s7;
	s7 =	simm.s32 @!p0 $0x108  }
0x21: {  	s3 =	sadd.s32 s3, s9;
	s6 =	sadd.s32 @!p0 $0x88, s6;
	s7 =	simm.s32 @p2 $0x1082  }
0x22: {  	[simem:s7], [sflag:s8] =	dma.local @!p0 [hbm:s6], $0xF7A  }
0x23: {  	s9 =	sor.u32 $0xD0000000, s2;
	s6 =	simm.s32 $0x108;
	_ =	swait.ge @!p0 [sflag:s8], $0x0  }
0x24: {  	s3 =	sadd.s32 $0x88, s3;
	s6 =	simm.s32 @!p1 $0x1082;
	[sflag:s4] =	ssyncset.s32 $0xFFFFF086  }
0x25: {  	[simem:s6], [sflag:s4] =	dma.local [hbm:s3], $0xF7A  }
0x26: {  	[smem:$0x3F9F] =	sst s1;
	(tag) =	ssettag s2;
	_ =	strace s9  }
0x27: {  	s1 =	sld [smem:$0x3FAF]  }
0x28: {  	s2 =	sld [smem:$0x3FB0]  }
0x29: {  	s4 =	sld [smem:$0x3FB2]  }
0x2a: {  	p0 =	seq.s32 s5, $0x0;
	s5 =	sld [smem:$0x3FB3]  }
0x2b: {  	s6 =	sld [smem:$0x3FB4]  }
0x2c: {  	s7 =	sld [smem:$0x3FB5]  }
0x2d: {  	s3 =	simm.s32 $0x108;
	s8 =	sld [smem:$0x3FB6]  }
0x2e: {  	s3 =	simm.s32 @!p0 $0x1082;
	s9 =	sld [smem:$0x3FB7]  }
0x2f: {  	lr =	sadd.s32 s0, s3;
	s0 =	sld [smem:$0x3FAE]  }
0x30: {  	s3 =	sld [smem:$0x3FB1]  }
0x31: {  	[smem:$0x3FBA] =	sst s10  }
0x32: {  	s10 =	sld [smem:$0x3FB8];
	_ =	sdelay $0x3  }
0x33: {  	p0 =	seq.s32 s10, $0x1;
	s10 =	sld [smem:$0x3FBA];
	_ =	sdelay $0x3  }
0x34: {  	[smem:$0x3FBA] =	sst s10  }
0x35: {  	s10 =	sld [smem:$0x3FB9];
	_ =	sdelay $0x3  }
0x36: {  	p1 =	seq.s32 s10, $0x1;
	s10 =	sld [smem:$0x3FBA];
	_ =	sdelay $0x3  }
0x37: {  	[smem:$0x3FBA] =	sst s10  }
0x38: {  	s10 =	sld [smem:$0x3FBB]  }
0x39: {  	_ = 	snop;
	(pc) =	sbr.ind lr, $3  }
0x3a: {  	_ = 	snop  }
0x3b: {  	_ = 	snop  }
0x3c: {  	p2 =	seq.s32 s10, $0x1;
	s10 =	sld [smem:$0x3FBA]  }
0x3d: {  	_ =	shalt  }
0x3e: {  	_ =	shalt  }
0x3f: {  	_ =	shalt  }
0x40: {  	_ =	shalt  }
0x41: {  	_ =	shalt  }
0x42: {  	_ =	shalt  }
0x43: {  	_ =	shalt  }
0x44: {  	_ =	shalt  }
0x45: {  	_ =	shalt  }
0x46: {  	_ =	shalt  }
0x47: {  	_ =	shalt  }
0x48: {  	_ =	shalt  }
0x49: {  	_ =	shalt  }
0x4a: {  	_ =	shalt  }
0x4b: {  	_ =	shalt  }
0x4c: {  	_ =	shalt  }
0x4d: {  	_ =	shalt  }
0x4e: {  	_ =	shalt  }
0x4f: {  	_ =	shalt  }
0x50: {  	_ =	shalt  }
0x51: {  	_ =	shalt  }
0x52: {  	_ =	shalt  }
0x53: {  	_ =	shalt  }
0x54: {  	_ =	shalt  }
0x55: {  	_ =	shalt  }
0x56: {  	_ =	shalt  }
0x57: {  	_ =	shalt  }
0x58: {  	_ =	shalt  }
0x59: {  	_ =	shalt  }
0x5a: {  	_ =	shalt  }
0x5b: {  	_ =	shalt  }
0x5c: {  	_ =	shalt  }
0x5d: {  	_ =	shalt  }
0x5e: {  	_ =	shalt  }
0x5f: {  	_ =	shalt  }
0x60: {  	_ =	shalt  }
0x61: {  	_ =	shalt  }
0x62: {  	_ =	shalt  }
0x63: {  	_ =	shalt  }
0x64: {  	_ =	shalt  }
0x65: {  	_ =	shalt  }
0x66: {  	_ =	shalt  }
0x67: {  	_ =	shalt  }
0x68: {  	_ =	shalt  }
0x69: {  	_ =	shalt  }
0x6a: {  	_ =	shalt  }
0x6b: {  	_ =	shalt  }
0x6c: {  	_ =	shalt  }
0x6d: {  	_ =	shalt  }
0x6e: {  	_ =	shalt  }
0x6f: {  	_ =	shalt  }
0x70: {  	_ =	shalt  }
0x71: {  	_ =	shalt  }
0x72: {  	_ =	shalt  }
0x73: {  	_ =	shalt  }
0x74: {  	_ =	shalt  }
0x75: {  	_ =	shalt  }
0x76: {  	_ =	shalt  }
0x77: {  	_ =	shalt  }
0x78: {  	_ =	shalt  }
0x79: {  	_ =	shalt  }
0x7a: {  	_ =	shalt  }
0x7b: {  	_ =	shalt  }
0x7c: {  	_ =	shalt  }
0x7d: {  	_ =	shalt  }
0x7e: {  	_ =	shalt  }
0x7f: {  	_ =	shalt  }
0x80: {  	_ =	shalt  }
0x81: {  	_ =	shalt  }
0x82: {  	_ =	shalt  }
0x83: {  	_ =	shalt  }
0x84: {  	_ =	shalt  }
0x85: {  	_ =	shalt  }
0x86: {  	_ =	shalt  }
0x87: {  	_ =	shalt  }
.Lfunc_end0:
.L_simem_size_0:
called_computation_lowered:
.L_overlay_start_0:
0x88: {  	s2 =	sld [smem:$0x3FD9]  }
0x89: {  	s3 =	sld [smem:$0x3FFE];
	_ =	sdelay $0x1  }
0x8a: {  	s1 =	srdreg.scid  }
0x8b: {  	s0 =	sand.u32 $0x1, s1  }
0x8c: {  	s15 =	sshll.u32 s0, $0xA;
	s2 =	sadd.s32 s3, s2  }
0x8d: {  	s2 =	sadd.s32 s2, s15  }
0x8e: {  	[smem:$0x3FC6] =	sst s2  }
0x8f: {  	_ = 	snop  }
0x90: {  	s2 =	sld [smem:$0x3FD0];
	_ =	sdelay $0x2  }
0x91: {  	s4 =	simm.s32 $0xA;
	s5 =	simm.s32 $0x10;
	s16 =	sld [smem:$0x3FC8]  }
0x92: {  	[smem:s5], [sflag:s4] =	dma.local [hbm:s2], $0x1  }
0x93: {  	_ =	swait.eq [sflag:s4], $0x1  }
0x94: {  	[sflag:s4] =	ssyncset.done $0x0  }
0x95: {  	[sflag:s4] =	ssyncadd.s32 $0xFFFFFFFF  }
0x96: {  	s17 =	sld [smem:$0x11];
	(tm) =	ssettm $0x1  }
0x97: {  	s18 =	sld [smem:$0x3FFB];
	_ =	sdelay $0x3  }
0x98: {  	_ =	strace s18  }
0x99: {  	s4 =	sld [smem:$0x3FFC];
	_ =	sdelay $0x3  }
0x9a: {  	_ =	strace s4  }
0x9b: {  	s4 =	sld [smem:$0x3FFD];
	_ =	sdelay $0x3  }
0x9c: {  	_ =	strace s4  }
0x9d: {  	_ =	strace $0x8FFFFFFF  }
0x9e: {  	s19 =	sld [smem:$0x3FDB];
	_ =	sdelay $0x1  }
0x9f: {  	s20 =	simm.s32 $_scs_section_size  }
0xa0: {  	s6 =	simm.s32 $_size__tile_overlayer_lowered;
	s7 =	simm.s32 $_tile_overlayer_lowered  }
0xa1: {  	s23 =	simm.s32 $0x1BFF;
	s22 =	sshll.u32 s7, $0x1;
	s4 =	sadd.s32 s20, s19  }
0xa2: {  	s8 =	simm.s32 $0x0;
	s21 =	sshll.u32 s6, $0x1;
	s6 =	sadd.s32 s22, s4  }
0xa3: {  	[timem:s8], [sflag:s23] =	dma.local [hbm:s6], s21  }
0xa4: {  	_ =	swait.ge [sflag:s23], s21  }
0xa5: {  	s5 =	ssub.s32 $0x0, s21;
	[sflag:s23] =	ssyncset.done $0x0  }
0xa6: {  	[sflag:s23] =	ssyncadd.s32 s5;
	_ =	sdelay $0x1  }
0xa7: {  	s24 =	simm.s32 $0x1B8B  }
0xa8: {  	_ =	swait.ge [sflag:s24], $0x1  }
0xa9: {  	[sflag:s24] =	ssyncset.done $0x0  }
0xaa: {  	s25 =	simm.s32 $0x1B8E;
	[sflag:s24] =	ssyncadd.s32 $0xFFFFFFFF  }
0xab: {  	s26 =	simm.s32 $execute0_lowered;
	[smem:$0x3FD2] =	sst s25  }
0xac: {  	s5 =	sshll.u32 s26, $0x1;
	_ =	strace $0x80000046;
	[dreg:$0x1] =	wrdreg $0xFFFFFFFF  }
0xad: {  	s28 =	simm.s32 $_size_execute0_lowered;
	s4 =	sadd.s32 s4, s5;
	[dreg:$0x0] =	wrdreg $0x0  }
0xae: {  	s5 =	sshll.u32 s28, $0x1;
	[dreg:$0x2] =	wrdreg s4  }
0xaf: {  	[dreg:$0x3] =	wrdreg s5  }
0xb0: {  	[dreg:$0x4] =	wrdreg $0xC0  }
0xb1: {  	_ =	task [dreg:s8], $0x5FFFF  }
0xb2: {  	[dreg:$0x1] =	wrdreg $0xFFFFFFFF  }
0xb3: {  	[dreg:$0x0] =	wrdreg $0x60  }
0xb4: {  	[dreg:$0x2] =	wrdreg s16  }
0xb5: {  	[dreg:$0x3] =	wrdreg s17  }
0xb6: {  	[dreg:$0x4] =	wrdreg $0x9  }
0xb7: {  	_ =	task.clear_ibuf [dreg:s8], $0x5FFFF;
	_ =	strace $0x90000046  }
0xb8: {  	s29 =	simm.s32 $0x9;
	_ =	strace $0x80000048  }
0xb9: {  	_ =	swait.ge [sflag:s29], $0x1  }
0xba: {  	[sflag:s29] =	ssyncadd.s32 $0xFFFFFFFF  }
0xbb: {  	_ =	strace $0x90000048  }
0xbc: {  	_ =	sfence  }
0xbd: {  	s30 =	sld [smem:$0x0];
	_ =	sdelay $0x2  }
0xbe: {  	s31 =	sshll.u32 s1, $0xD;
	s1 =	sshrl.u32 s1, $0x2  }
0xbf: {  	s3 =	sand.u32 $0x4000, s31;
	s1 =	sadd.s32 s1, s30  }
0xc0: {  	s0 =	sor.u32 s3, s0;
	s1 =	sshll.u32 s1, $0x11  }
0xc1: {  	s0 =	sor.u32 s1, s0  }
0xc2: {  	s0 =	sadd.s32 $0x8F2B, s0  }
0xc3: {  	[sflag:s0] =	ssyncadd.remote.s32 $0x1  }
0xc4: {  	_ =	sfence.sel $0xFFFF  }
0xc5: {  	[dreg:$0x0] =	wrdreg $0xFFFFFFFF;
	(pc) =	sbr.abs _section_cstart, $3  }
0xc6: {  	[dreg:$0x1] =	wrdreg $0xFFFFFFFF  }
0xc7: {  	_ =	task.clear_ibuf [dreg:s8], $0x2FFFF;
	_ =	strace $0x9FFFFFFF  }
0xc8: {  	(tm) =	ssettm $0x7FFFFFFF  }
0xc9: {  	_ =	shalt  }
tec
execute0_lowered:
.L_overlay_start_1:
0x0: {  	(tag) =	ssettag $0x1  }
0x1: {  	s29 =	rddreg [dreg:$0x0];
	s0 =	srdreg.scid  }
0x2: {  	s3 =	stileid.u32;
	s2 =	simm.s32 $0x0;
	s0 =	sand.u32 $0x1, s0  }
0x3: {  	s3 =	sshll.u32 s3, $0x11;
	[smem:$0x7FF] =	sst s2;
	s4 =	sshll.u32 s0, $0x10  }
0x4: {  	[dreg:$0xd] =	wrdreg s0;
	s30 =	sor.u32 s4, s3  }
0x5: {  	s1 =	rddreg [dreg:$0x1];
	_ =	strace $0x80000047;
	s3 =	sadd.s32 s29, s30  }
0x6: {  	s4 =	sor.u32 $0x1000, s30;
	s11 =	sadd.s32 s1, s30;
	[dreg:$0x3] =	wrdreg s3  }
0x7: {  	s5 =	sor.u32 $0x2000, s30;
	s10 =	sadd.s32 s29, s4;
	[dreg:$0x5] =	wrdreg s11  }
0x8: {  	s12 =	sadd.s32 s29, s5;
	[dreg:$0x4] =	wrdreg s10  }
0x9: {  	s14 =	sor.u32 $0x3000, s30;
	s13 =	sadd.s32 s1, s4;
	[dreg:$0x6] =	wrdreg s12  }
0xa: {  	s15 =	sadd.s32 s29, s14;
	[dreg:$0x7] =	wrdreg s13  }
0xb: {  	s16 =	sadd.s32 s1, s5;
	[dreg:$0x8] =	wrdreg s15  }
0xc: {  	s17 =	sor.u32 $0x4000, s30;
	[dreg:$0x9] =	wrdreg s16  }
0xd: {  	s18 =	sadd.s32 s29, s17;
	s19 =	rddreg [dreg:$0x3]  }
0xe: {  	s20 =	sadd.s32 s1, s14;
	[dreg:$0xa] =	wrdreg s18  }
0xf: {  	[dreg:$0xb] =	wrdreg s20  }
0x10: {  	[tilespmem:s2], [sflag:$0x1] =	stream.linear.gather [hbm4b:s19+s2], $0x8000, $0x38;
	[tilespmem:$0x10000] =	vst v63  }
0x11: {  	s3 =	simm.s32 $0x8000;
	s4 =	simm.s32 $0x1;
	s6 =	rddreg [dreg:$0x4]  }
0x12: {  	[tilespmem:s3], [sflag:$0x2] =	stream.linear.gather [hbm4b:s6+s2], $0x8000, $0x38;
	[tilespmem:$0x10000] =	vst v63  }
0x13: {  	_ =	swait.ge [sflag:s4], $0x8000  }
0x14: {  	[sflag:s4] =	ssyncset.done $0x0  }
0x15: {  	s5 =	simm.s32 $0x3;
	s21 =	rddreg [dreg:$0x5];
	[sflag:s4] =	ssyncadd.s32 $0xFFFF8000  }
0x16: {  	[hbm4b:s21+s2] =	stream.linear.scatter [tilespmem:s2], [sflag:$0x3], $0x8000, $0x38;
	[tilespmem:$0x10000] =	vst v63  }
0x17: {  	_ =	swait.ge [sflag:s5], $0x8000  }
0x18: {  	[sflag:s5] =	ssyncset.done $0x0  }
0x19: {  	s6 =	simm.s32 $0x2;
	s7 =	rddreg [dreg:$0x6];
	[sflag:s5] =	ssyncadd.s32 $0xFFFF8000  }
0x1a: {  	[tilespmem:s2], [sflag:$0x1] =	stream.linear.gather [hbm4b:s7+s2], $0x8000, $0x38;
	[tilespmem:$0x10000] =	vst v63  }
0x1b: {  	_ =	swait.ge [sflag:s6], $0x8000  }
0x1c: {  	[sflag:s6] =	ssyncset.done $0x0  }
0x1d: {  	s7 =	simm.s32 $0x4;
	s8 =	rddreg [dreg:$0x7];
	[sflag:s6] =	ssyncadd.s32 $0xFFFF8000  }
0x1e: {  	[hbm4b:s8+s2] =	stream.linear.scatter [tilespmem:s3], [sflag:$0x4], $0x8000, $0x38;
	[tilespmem:$0x10000] =	vst v63  }
0x1f: {  	_ =	swait.ge [sflag:s7], $0x8000  }
0x20: {  	[sflag:s7] =	ssyncset.done $0x0  }
0x21: {  	s22 =	rddreg [dreg:$0x8];
	[sflag:s7] =	ssyncadd.s32 $0xFFFF8000  }
0x22: {  	[tilespmem:s3], [sflag:$0x2] =	stream.linear.gather [hbm4b:s22+s2], $0x8000, $0x38;
	[tilespmem:$0x10000] =	vst v63  }
0x23: {  	_ =	swait.ge [sflag:s4], $0x8000  }
0x24: {  	[sflag:s4] =	ssyncset.done $0x0  }
0x25: {  	s23 =	rddreg [dreg:$0x9];
	[sflag:s4] =	ssyncadd.s32 $0xFFFF8000  }
0x26: {  	[hbm4b:s23+s2] =	stream.linear.scatter [tilespmem:s2], [sflag:$0x3], $0x8000, $0x38;
	[tilespmem:$0x10000] =	vst v63  }
0x27: {  	_ =	swait.ge [sflag:s5], $0x8000  }
0x28: {  	[sflag:s5] =	ssyncset.done $0x0  }
0x29: {  	s24 =	rddreg [dreg:$0xa];
	[sflag:s5] =	ssyncadd.s32 $0xFFFF8000  }
0x2a: {  	[tilespmem:s2], [sflag:$0x1] =	stream.linear.gather [hbm4b:s24+s2], $0x8000, $0x38;
	[tilespmem:$0x10000] =	vst v63  }
0x2b: {  	_ =	swait.ge [sflag:s6], $0x8000  }
0x2c: {  	[sflag:s6] =	ssyncset.done $0x0  }
0x2d: {  	s25 =	rddreg [dreg:$0xb];
	[sflag:s6] =	ssyncadd.s32 $0xFFFF8000  }
0x2e: {  	[hbm4b:s25+s2] =	stream.linear.scatter [tilespmem:s3], [sflag:$0x4], $0x8000, $0x38;
	[tilespmem:$0x10000] =	vst v63  }
0x2f: {  	s11 =	sor.u32 $0x5000, s30;
	_ =	swait.ge [sflag:s7], $0x8000  }
0x30: {  	s26 =	sadd.s32 s29, s11;
	[sflag:s7] =	ssyncset.done $0x0  }
0x31: {  	[dreg:$0xc] =	wrdreg s26;
	[sflag:s7] =	ssyncadd.s32 $0xFFFF8000  }
0x32: {  	[tilespmem:s3], [sflag:$0x2] =	stream.linear.gather [hbm4b:s26+s2], $0x8000, $0x38;
	[tilespmem:$0x10000] =	vst v63  }
0x33: {  	_ =	swait.ge [sflag:s4], $0x8000  }
0x34: {  	[sflag:s4] =	ssyncset.done $0x0  }
0x35: {  	s0 =	sadd.s32 s1, s17;
	[sflag:s4] =	ssyncadd.s32 $0xFFFF8000  }
0x36: {  	[hbm4b:s0+s2] =	stream.linear.scatter [tilespmem:s2], [sflag:$0x3], $0x8000, $0x38;
	[tilespmem:$0x10000] =	vst v63  }
0x37: {  	_ =	swait.ge [sflag:s5], $0x8000  }
0x38: {  	s13 =	sor.u32 $0x6000, s30;
	[sflag:s5] =	ssyncset.done $0x0  }
0x39: {  	s10 =	sadd.s32 s29, s13;
	[sflag:s5] =	ssyncadd.s32 $0xFFFF8000  }
0x3a: {  	[tilespmem:s2], [sflag:$0x1] =	stream.linear.gather [hbm4b:s10+s2], $0x8000, $0x38;
	[tilespmem:$0x10000] =	vst v63  }
0x3b: {  	_ =	swait.ge [sflag:s6], $0x8000  }
0x3c: {  	[sflag:s6] =	ssyncset.done $0x0  }
0x3d: {  	s11 =	sadd.s32 s1, s11;
	[sflag:s6] =	ssyncadd.s32 $0xFFFF8000  }
0x3e: {  	[hbm4b:s11+s2] =	stream.linear.scatter [tilespmem:s3], [sflag:$0x4], $0x8000, $0x38;
	[tilespmem:$0x10000] =	vst v63  }
0x3f: {  	_ =	swait.ge [sflag:s7], $0x8000  }
0x40: {  	s15 =	sor.u32 $0x7000, s30;
	[sflag:s7] =	ssyncset.done $0x0  }
0x41: {  	s12 =	sadd.s32 s29, s15;
	[sflag:s7] =	ssyncadd.s32 $0xFFFF8000  }
0x42: {  	[tilespmem:s3], [sflag:$0x2] =	stream.linear.gather [hbm4b:s12+s2], $0x8000, $0x38;
	[tilespmem:$0x10000] =	vst v63  }
0x43: {  	_ =	swait.ge [sflag:s4], $0x8000  }
0x44: {  	[sflag:s4] =	ssyncset.done $0x0  }
0x45: {  	s13 =	sadd.s32 s1, s13;
	[sflag:s4] =	ssyncadd.s32 $0xFFFF8000  }
0x46: {  	[hbm4b:s13+s2] =	stream.linear.scatter [tilespmem:s2], [sflag:$0x3], $0x8000, $0x38;
	[tilespmem:$0x10000] =	vst v63  }
0x47: {  	_ =	swait.ge [sflag:s5], $0x8000  }
0x48: {  	s17 =	sor.u32 $0x8000, s30;
	[sflag:s5] =	ssyncset.done $0x0  }
0x49: {  	s14 =	sadd.s32 s29, s17;
	[sflag:s5] =	ssyncadd.s32 $0xFFFF8000  }
0x4a: {  	[tilespmem:s2], [sflag:$0x1] =	stream.linear.gather [hbm4b:s14+s2], $0x8000, $0x38;
	[tilespmem:$0x10000] =	vst v63  }
0x4b: {  	_ =	swait.ge [sflag:s6], $0x8000  }
0x4c: {  	[sflag:s6] =	ssyncset.done $0x0  }
0x4d: {  	s15 =	sadd.s32 s1, s15;
	[sflag:s6] =	ssyncadd.s32 $0xFFFF8000  }
0x4e: {  	[hbm4b:s15+s2] =	stream.linear.scatter [tilespmem:s3], [sflag:$0x4], $0x8000, $0x38;
	[tilespmem:$0x10000] =	vst v63  }
0x4f: {  	_ =	swait.ge [sflag:s7], $0x8000  }
0x50: {  	s19 =	sor.u32 $0x9000, s30;
	[sflag:s7] =	ssyncset.done $0x0  }
0x51: {  	s16 =	sadd.s32 s29, s19;
	[sflag:s7] =	ssyncadd.s32 $0xFFFF8000  }
0x52: {  	[tilespmem:s3], [sflag:$0x2] =	stream.linear.gather [hbm4b:s16+s2], $0x8000, $0x38;
	[tilespmem:$0x10000] =	vst v63  }
0x53: {  	_ =	swait.ge [sflag:s4], $0x8000  }
0x54: {  	[sflag:s4] =	ssyncset.done $0x0  }
0x55: {  	s17 =	sadd.s32 s1, s17;
	[sflag:s4] =	ssyncadd.s32 $0xFFFF8000  }
0x56: {  	[hbm4b:s17+s2] =	stream.linear.scatter [tilespmem:s2], [sflag:$0x3], $0x8000, $0x38;
	[tilespmem:$0x10000] =	vst v63  }
0x57: {  	_ =	swait.ge [sflag:s5], $0x8000  }
0x58: {  	s21 =	sor.u32 $0xA000, s30;
	[sflag:s5] =	ssyncset.done $0x0  }
0x59: {  	s18 =	sadd.s32 s29, s21;
	[sflag:s5] =	ssyncadd.s32 $0xFFFF8000  }
0x5a: {  	[tilespmem:s2], [sflag:$0x1] =	stream.linear.gather [hbm4b:s18+s2], $0x8000, $0x38;
	[tilespmem:$0x10000] =	vst v63  }
0x5b: {  	_ =	swait.ge [sflag:s6], $0x8000  }
0x5c: {  	[sflag:s6] =	ssyncset.done $0x0  }
0x5d: {  	s19 =	sadd.s32 s1, s19;
	[sflag:s6] =	ssyncadd.s32 $0xFFFF8000  }
0x5e: {  	[hbm4b:s19+s2] =	stream.linear.scatter [tilespmem:s3], [sflag:$0x4], $0x8000, $0x38;
	[tilespmem:$0x10000] =	vst v63  }
0x5f: {  	_ =	swait.ge [sflag:s7], $0x8000  }
0x60: {  	s23 =	sor.u32 $0xB000, s30;
	[sflag:s7] =	ssyncset.done $0x0  }
0x61: {  	s20 =	sadd.s32 s29, s23;
	[sflag:s7] =	ssyncadd.s32 $0xFFFF8000  }
0x62: {  	[tilespmem:s3], [sflag:$0x2] =	stream.linear.gather [hbm4b:s20+s2], $0x8000, $0x38;
	[tilespmem:$0x10000] =	vst v63  }
0x63: {  	_ =	swait.ge [sflag:s4], $0x8000  }
0x64: {  	[sflag:s4] =	ssyncset.done $0x0  }
0x65: {  	s21 =	sadd.s32 s1, s21;
	[sflag:s4] =	ssyncadd.s32 $0xFFFF8000  }
0x66: {  	[hbm4b:s21+s2] =	stream.linear.scatter [tilespmem:s2], [sflag:$0x3], $0x8000, $0x38;
	[tilespmem:$0x10000] =	vst v63  }
0x67: {  	_ =	swait.ge [sflag:s5], $0x8000  }
0x68: {  	s25 =	sor.u32 $0xC000, s30;
	[sflag:s5] =	ssyncset.done $0x0  }
0x69: {  	s22 =	sadd.s32 s29, s25;
	[sflag:s5] =	ssyncadd.s32 $0xFFFF8000  }
0x6a: {  	[tilespmem:s2], [sflag:$0x1] =	stream.linear.gather [hbm4b:s22+s2], $0x8000, $0x38;
	[tilespmem:$0x10000] =	vst v63  }
0x6b: {  	_ =	swait.ge [sflag:s6], $0x8000  }
0x6c: {  	[sflag:s6] =	ssyncset.done $0x0  }
0x6d: {  	s23 =	sadd.s32 s1, s23;
	[sflag:s6] =	ssyncadd.s32 $0xFFFF8000  }
0x6e: {  	[hbm4b:s23+s2] =	stream.linear.scatter [tilespmem:s3], [sflag:$0x4], $0x8000, $0x38;
	[tilespmem:$0x10000] =	vst v63  }
0x6f: {  	_ =	swait.ge [sflag:s7], $0x8000  }
0x70: {  	s28 =	sor.u32 $0xD000, s30;
	[sflag:s7] =	ssyncset.done $0x0  }
0x71: {  	s24 =	sadd.s32 s29, s28;
	[sflag:s7] =	ssyncadd.s32 $0xFFFF8000  }
0x72: {  	[tilespmem:s3], [sflag:$0x2] =	stream.linear.gather [hbm4b:s24+s2], $0x8000, $0x38;
	[tilespmem:$0x10000] =	vst v63  }
0x73: {  	_ =	swait.ge [sflag:s4], $0x8000  }
0x74: {  	[sflag:s4] =	ssyncset.done $0x0  }
0x75: {  	s25 =	sadd.s32 s1, s25;
	[sflag:s4] =	ssyncadd.s32 $0xFFFF8000  }
0x76: {  	[hbm4b:s25+s2] =	stream.linear.scatter [tilespmem:s2], [sflag:$0x3], $0x8000, $0x38;
	[tilespmem:$0x10000] =	vst v63  }
0x77: {  	_ =	swait.ge [sflag:s5], $0x8000  }
0x78: {  	s31 =	sor.u32 $0xE000, s30;
	[sflag:s5] =	ssyncset.done $0x0  }
0x79: {  	s26 =	sadd.s32 s29, s31;
	[sflag:s5] =	ssyncadd.s32 $0xFFFF8000  }
0x7a: {  	[tilespmem:s2], [sflag:$0x1] =	stream.linear.gather [hbm4b:s26+s2], $0x8000, $0x38;
	[tilespmem:$0x10000] =	vst v63  }
0x7b: {  	_ =	swait.ge [sflag:s6], $0x8000  }
0x7c: {  	[sflag:s6] =	ssyncset.done $0x0  }
0x7d: {  	s28 =	sadd.s32 s1, s28;
	[sflag:s6] =	ssyncadd.s32 $0xFFFF8000  }
0x7e: {  	[hbm4b:s28+s2] =	stream.linear.scatter [tilespmem:s3], [sflag:$0x4], $0x8000, $0x38;
	[tilespmem:$0x10000] =	vst v63  }
0x7f: {  	_ =	swait.ge [sflag:s7], $0x8000  }
0x80: {  	s8 =	sor.u32 $0xF000, s30;
	[sflag:s7] =	ssyncset.done $0x0  }
0x81: {  	s29 =	sadd.s32 s29, s8;
	[sflag:s7] =	ssyncadd.s32 $0xFFFF8000  }
0x82: {  	[tilespmem:s3], [sflag:$0x2] =	stream.linear.gather [hbm4b:s29+s2], $0x8000, $0x38;
	[tilespmem:$0x10000] =	vst v63  }
0x83: {  	_ =	swait.ge [sflag:s4], $0x8000  }
0x84: {  	[sflag:s4] =	ssyncset.done $0x0  }
0x85: {  	s30 =	sadd.s32 s1, s31;
	[sflag:s4] =	ssyncadd.s32 $0xFFFF8000  }
0x86: {  	[hbm4b:s30+s2] =	stream.linear.scatter [tilespmem:s2], [sflag:$0x3], $0x8000, $0x38;
	[tilespmem:$0x10000] =	vst v63  }
0x87: {  	_ =	swait.ge [sflag:s6], $0x8000  }
0x88: {  	s31 =	sadd.s32 s1, s8;
	[sflag:s6] =	ssyncset.done $0x0;
	s1 =	rddreg [dreg:$0xd]  }
0x89: {  	s9 =	smov.u32 s0;
	s0 =	ssub.s32 $0x2, s1;
	[sflag:s6] =	ssyncadd.s32 $0xFFFF8000  }
0x8a: {  	[hbm4b:s31+s2] =	stream.linear.scatter [tilespmem:s3], [sflag:$0x4], $0x8000, $0x38;
	[tilespmem:$0x10000] =	vst v63  }
0x8b: {  	s8 =	sshrl.u32 s0, $0x1  }
0x8c: {  	s0 =	ssub.s32 s0, s8  }
0x8d: {  	s0 =	smax.u32 s0, $0x1  }
0x8e: {  	p0 =	sne.s32 s0, $0x1  }
.Ltmp0:
0x8f: {  	_ =	swait.ge [sflag:s5], $0x8000;
	(pc) =	sbr.rel @!p0 .LBB2_2-.Ltmp0, $4  }
0x90: {  	[sflag:s5] =	ssyncset.done $0x0  }
0x91: {  	[sflag:s5] =	ssyncadd.s32 $0xFFFF8000  }
0x92: {  	_ =	swait.ge [sflag:s7], $0x8000  }
0x93: {  	s0 =	sadd.s32 $0xFFFFFFFF, s0;
	[sflag:s7] =	ssyncset.done $0x0  }
.LBB2_1:
0x94: {  	s1 =	rddreg [dreg:$0x3];
	[sflag:s7] =	ssyncadd.s32 $0xFFFF8000  }
0x95: {  	[tilespmem:s2], [sflag:$0x1] =	stream.linear.gather [hbm4b:s1+s2], $0x8000, $0x38;
	[tilespmem:$0x10000] =	vst v63  }
0x96: {  	s8 =	rddreg [dreg:$0x4]  }
0x97: {  	[tilespmem:s3], [sflag:$0x2] =	stream.linear.gather [hbm4b:s8+s2], $0x8000, $0x38;
	[tilespmem:$0x10000] =	vst v63  }
0x98: {  	_ =	swait.ge [sflag:s4], $0x8000  }
0x99: {  	[sflag:s4] =	ssyncset.done $0x0  }
0x9a: {  	s8 =	rddreg [dreg:$0x5];
	[sflag:s4] =	ssyncadd.s32 $0xFFFF8000  }
0x9b: {  	[hbm4b:s8+s2] =	stream.linear.scatter [tilespmem:s2], [sflag:$0x3], $0x8000, $0x38;
	[tilespmem:$0x10000] =	vst v63  }
0x9c: {  	_ =	swait.ge [sflag:s5], $0x8000  }
0x9d: {  	[sflag:s5] =	ssyncset.done $0x0  }
0x9e: {  	s8 =	rddreg [dreg:$0x6];
	[sflag:s5] =	ssyncadd.s32 $0xFFFF8000  }
0x9f: {  	[tilespmem:s2], [sflag:$0x1] =	stream.linear.gather [hbm4b:s8+s2], $0x8000, $0x38;
	[tilespmem:$0x10000] =	vst v63  }
0xa0: {  	_ =	swait.ge [sflag:s6], $0x8000  }
0xa1: {  	[sflag:s6] =	ssyncset.done $0x0  }
0xa2: {  	s8 =	rddreg [dreg:$0x7];
	[sflag:s6] =	ssyncadd.s32 $0xFFFF8000  }
0xa3: {  	[hbm4b:s8+s2] =	stream.linear.scatter [tilespmem:s3], [sflag:$0x4], $0x8000, $0x38;
	[tilespmem:$0x10000] =	vst v63  }
0xa4: {  	_ =	swait.ge [sflag:s7], $0x8000  }
0xa5: {  	[sflag:s7] =	ssyncset.done $0x0  }
0xa6: {  	s8 =	rddreg [dreg:$0x8];
	[sflag:s7] =	ssyncadd.s32 $0xFFFF8000  }
0xa7: {  	[tilespmem:s3], [sflag:$0x2] =	stream.linear.gather [hbm4b:s8+s2], $0x8000, $0x38;
	[tilespmem:$0x10000] =	vst v63  }
0xa8: {  	_ =	swait.ge [sflag:s4], $0x8000  }
0xa9: {  	[sflag:s4] =	ssyncset.done $0x0  }
0xaa: {  	s8 =	rddreg [dreg:$0x9];
	[sflag:s4] =	ssyncadd.s32 $0xFFFF8000  }
0xab: {  	[hbm4b:s8+s2] =	stream.linear.scatter [tilespmem:s2], [sflag:$0x3], $0x8000, $0x38;
	[tilespmem:$0x10000] =	vst v63  }
0xac: {  	_ =	swait.ge [sflag:s5], $0x8000  }
0xad: {  	[sflag:s5] =	ssyncset.done $0x0  }
0xae: {  	s8 =	rddreg [dreg:$0xa];
	[sflag:s5] =	ssyncadd.s32 $0xFFFF8000  }
0xaf: {  	[tilespmem:s2], [sflag:$0x1] =	stream.linear.gather [hbm4b:s8+s2], $0x8000, $0x38;
	[tilespmem:$0x10000] =	vst v63  }
0xb0: {  	_ =	swait.ge [sflag:s6], $0x8000  }
0xb1: {  	[sflag:s6] =	ssyncset.done $0x0  }
0xb2: {  	s8 =	rddreg [dreg:$0xb];
	[sflag:s6] =	ssyncadd.s32 $0xFFFF8000  }
0xb3: {  	[hbm4b:s8+s2] =	stream.linear.scatter [tilespmem:s3], [sflag:$0x4], $0x8000, $0x38;
	[tilespmem:$0x10000] =	vst v63  }
0xb4: {  	_ =	swait.ge [sflag:s7], $0x8000  }
0xb5: {  	[sflag:s7] =	ssyncset.done $0x0  }
0xb6: {  	s8 =	rddreg [dreg:$0xc];
	[sflag:s7] =	ssyncadd.s32 $0xFFFF8000  }
0xb7: {  	[tilespmem:s3], [sflag:$0x2] =	stream.linear.gather [hbm4b:s8+s2], $0x8000, $0x38;
	[tilespmem:$0x10000] =	vst v63  }
0xb8: {  	_ =	swait.ge [sflag:s4], $0x8000  }
0xb9: {  	[sflag:s4] =	ssyncset.done $0x0  }
0xba: {  	[sflag:s4] =	ssyncadd.s32 $0xFFFF8000  }
0xbb: {  	[hbm4b:s9+s2] =	stream.linear.scatter [tilespmem:s2], [sflag:$0x3], $0x8000, $0x38;
	[tilespmem:$0x10000] =	vst v63  }
0xbc: {  	_ =	swait.ge [sflag:s5], $0x8000  }
0xbd: {  	[sflag:s5] =	ssyncset.done $0x0  }
0xbe: {  	[sflag:s5] =	ssyncadd.s32 $0xFFFF8000  }
0xbf: {  	[tilespmem:s2], [sflag:$0x1] =	stream.linear.gather [hbm4b:s10+s2], $0x8000, $0x38;
	[tilespmem:$0x10000] =	vst v63  }
0xc0: {  	_ =	swait.ge [sflag:s6], $0x8000  }
0xc1: {  	[sflag:s6] =	ssyncset.done $0x0  }
0xc2: {  	[sflag:s6] =	ssyncadd.s32 $0xFFFF8000  }
0xc3: {  	[hbm4b:s11+s2] =	stream.linear.scatter [tilespmem:s3], [sflag:$0x4], $0x8000, $0x38;
	[tilespmem:$0x10000] =	vst v63  }
0xc4: {  	_ =	swait.ge [sflag:s7], $0x8000  }
0xc5: {  	[sflag:s7] =	ssyncset.done $0x0  }
0xc6: {  	[sflag:s7] =	ssyncadd.s32 $0xFFFF8000  }
0xc7: {  	[tilespmem:s3], [sflag:$0x2] =	stream.linear.gather [hbm4b:s12+s2], $0x8000, $0x38;
	[tilespmem:$0x10000] =	vst v63  }
0xc8: {  	_ =	swait.ge [sflag:s4], $0x8000  }
0xc9: {  	[sflag:s4] =	ssyncset.done $0x0  }
0xca: {  	[sflag:s4] =	ssyncadd.s32 $0xFFFF8000  }
0xcb: {  	[hbm4b:s13+s2] =	stream.linear.scatter [tilespmem:s2], [sflag:$0x3], $0x8000, $0x38;
	[tilespmem:$0x10000] =	vst v63  }
0xcc: {  	_ =	swait.ge [sflag:s5], $0x8000  }
0xcd: {  	[sflag:s5] =	ssyncset.done $0x0  }
0xce: {  	[sflag:s5] =	ssyncadd.s32 $0xFFFF8000  }
0xcf: {  	[tilespmem:s2], [sflag:$0x1] =	stream.linear.gather [hbm4b:s14+s2], $0x8000, $0x38;
	[tilespmem:$0x10000] =	vst v63  }
0xd0: {  	_ =	swait.ge [sflag:s6], $0x8000  }
0xd1: {  	[sflag:s6] =	ssyncset.done $0x0  }
0xd2: {  	[sflag:s6] =	ssyncadd.s32 $0xFFFF8000  }
0xd3: {  	[hbm4b:s15+s2] =	stream.linear.scatter [tilespmem:s3], [sflag:$0x4], $0x8000, $0x38;
	[tilespmem:$0x10000] =	vst v63  }
0xd4: {  	_ =	swait.ge [sflag:s7], $0x8000  }
0xd5: {  	[sflag:s7] =	ssyncset.done $0x0  }
0xd6: {  	[sflag:s7] =	ssyncadd.s32 $0xFFFF8000  }
0xd7: {  	[tilespmem:s3], [sflag:$0x2] =	stream.linear.gather [hbm4b:s16+s2], $0x8000, $0x38;
	[tilespmem:$0x10000] =	vst v63  }
0xd8: {  	_ =	swait.ge [sflag:s4], $0x8000  }
0xd9: {  	[sflag:s4] =	ssyncset.done $0x0  }
0xda: {  	[sflag:s4] =	ssyncadd.s32 $0xFFFF8000  }
0xdb: {  	[hbm4b:s17+s2] =	stream.linear.scatter [tilespmem:s2], [sflag:$0x3], $0x8000, $0x38;
	[tilespmem:$0x10000] =	vst v63  }
0xdc: {  	_ =	swait.ge [sflag:s5], $0x8000  }
0xdd: {  	[sflag:s5] =	ssyncset.done $0x0  }
0xde: {  	[sflag:s5] =	ssyncadd.s32 $0xFFFF8000  }
0xdf: {  	[tilespmem:s2], [sflag:$0x1] =	stream.linear.gather [hbm4b:s18+s2], $0x8000, $0x38;
	[tilespmem:$0x10000] =	vst v63  }
0xe0: {  	_ =	swait.ge [sflag:s6], $0x8000  }
0xe1: {  	[sflag:s6] =	ssyncset.done $0x0  }
0xe2: {  	[sflag:s6] =	ssyncadd.s32 $0xFFFF8000  }
0xe3: {  	[hbm4b:s19+s2] =	stream.linear.scatter [tilespmem:s3], [sflag:$0x4], $0x8000, $0x38;
	[tilespmem:$0x10000] =	vst v63  }
0xe4: {  	_ =	swait.ge [sflag:s7], $0x8000  }
0xe5: {  	[sflag:s7] =	ssyncset.done $0x0  }
0xe6: {  	[sflag:s7] =	ssyncadd.s32 $0xFFFF8000  }
0xe7: {  	[tilespmem:s3], [sflag:$0x2] =	stream.linear.gather [hbm4b:s20+s2], $0x8000, $0x38;
	[tilespmem:$0x10000] =	vst v63  }
0xe8: {  	_ =	swait.ge [sflag:s4], $0x8000  }
0xe9: {  	[sflag:s4] =	ssyncset.done $0x0  }
0xea: {  	[sflag:s4] =	ssyncadd.s32 $0xFFFF8000  }
0xeb: {  	[hbm4b:s21+s2] =	stream.linear.scatter [tilespmem:s2], [sflag:$0x3], $0x8000, $0x38;
	[tilespmem:$0x10000] =	vst v63  }
0xec: {  	_ =	swait.ge [sflag:s5], $0x8000  }
0xed: {  	[sflag:s5] =	ssyncset.done $0x0  }
0xee: {  	[sflag:s5] =	ssyncadd.s32 $0xFFFF8000  }
0xef: {  	[tilespmem:s2], [sflag:$0x1] =	stream.linear.gather [hbm4b:s22+s2], $0x8000, $0x38;
	[tilespmem:$0x10000] =	vst v63  }
0xf0: {  	_ =	swait.ge [sflag:s6], $0x8000  }
0xf1: {  	[sflag:s6] =	ssyncset.done $0x0  }
0xf2: {  	[sflag:s6] =	ssyncadd.s32 $0xFFFF8000  }
0xf3: {  	[hbm4b:s23+s2] =	stream.linear.scatter [tilespmem:s3], [sflag:$0x4], $0x8000, $0x38;
	[tilespmem:$0x10000] =	vst v63  }
0xf4: {  	_ =	swait.ge [sflag:s7], $0x8000  }
0xf5: {  	[sflag:s7] =	ssyncset.done $0x0  }
0xf6: {  	[sflag:s7] =	ssyncadd.s32 $0xFFFF8000  }
0xf7: {  	[tilespmem:s3], [sflag:$0x2] =	stream.linear.gather [hbm4b:s24+s2], $0x8000, $0x38;
	[tilespmem:$0x10000] =	vst v63  }
0xf8: {  	_ =	swait.ge [sflag:s4], $0x8000  }
0xf9: {  	[sflag:s4] =	ssyncset.done $0x0  }
0xfa: {  	[sflag:s4] =	ssyncadd.s32 $0xFFFF8000  }
0xfb: {  	[hbm4b:s25+s2] =	stream.linear.scatter [tilespmem:s2], [sflag:$0x3], $0x8000, $0x38;
	[tilespmem:$0x10000] =	vst v63  }
0xfc: {  	_ =	swait.ge [sflag:s5], $0x8000  }
0xfd: {  	[sflag:s5] =	ssyncset.done $0x0  }
0xfe: {  	[sflag:s5] =	ssyncadd.s32 $0xFFFF8000  }
0xff: {  	[tilespmem:s2], [sflag:$0x1] =	stream.linear.gather [hbm4b:s26+s2], $0x8000, $0x38;
	[tilespmem:$0x10000] =	vst v63  }
0x100: {  	_ =	swait.ge [sflag:s6], $0x8000  }
0x101: {  	[sflag:s6] =	ssyncset.done $0x0  }
0x102: {  	[sflag:s6] =	ssyncadd.s32 $0xFFFF8000  }
0x103: {  	[hbm4b:s28+s2] =	stream.linear.scatter [tilespmem:s3], [sflag:$0x4], $0x8000, $0x38;
	[tilespmem:$0x10000] =	vst v63  }
0x104: {  	_ =	swait.ge [sflag:s7], $0x8000  }
0x105: {  	[sflag:s7] =	ssyncset.done $0x0  }
0x106: {  	[sflag:s7] =	ssyncadd.s32 $0xFFFF8000  }
0x107: {  	[tilespmem:s3], [sflag:$0x2] =	stream.linear.gather [hbm4b:s29+s2], $0x8000, $0x38;
	[tilespmem:$0x10000] =	vst v63  }
0x108: {  	_ =	swait.ge [sflag:s4], $0x8000  }
0x109: {  	[sflag:s4] =	ssyncset.done $0x0  }
0x10a: {  	[sflag:s4] =	ssyncadd.s32 $0xFFFF8000  }
0x10b: {  	[hbm4b:s30+s2] =	stream.linear.scatter [tilespmem:s2], [sflag:$0x3], $0x8000, $0x38;
	[tilespmem:$0x10000] =	vst v63  }
0x10c: {  	_ =	swait.ge [sflag:s6], $0x8000  }
0x10d: {  	[sflag:s6] =	ssyncset.done $0x0  }
0x10e: {  	p0 =	sne.s32 s0, $0x1;
	[sflag:s6] =	ssyncadd.s32 $0xFFFF8000  }
0x10f: {  	[hbm4b:s31+s2] =	stream.linear.scatter [tilespmem:s3], [sflag:$0x4], $0x8000, $0x38;
	[tilespmem:$0x10000] =	vst v63  }
.Ltmp1:
0x110: {  	_ =	swait.ge [sflag:s5], $0x8000;
	(pc) =	sbr.rel @p0 .LBB2_1-.Ltmp1, $4  }
0x111: {  	[sflag:s5] =	ssyncset.done $0x0  }
0x112: {  	[sflag:s5] =	ssyncadd.s32 $0xFFFF8000  }
0x113: {  	_ =	swait.ge [sflag:s7], $0x8000  }
0x114: {  	s0 =	sadd.s32 $0xFFFFFFFF, s0;
	[sflag:s7] =	ssyncset.done $0x0  }
.LBB2_2:
0x115: {  	[sflag:s7] =	ssyncadd.s32 $0xFFFF8000  }
0x116: {  	_ =	sfence.sel $0x180000  }
0x117: {  	[bflag:$0x0] =	sbarrier.arrive $0xFFFF  }
0x118: {  	_ =	strace $0x90000047  }
0x119: {  	s0 =	stileid.u32;
	[bflag:$0x2] =	sbarrier.arrive $0xFFFF  }
0x11a: {  	p0 =	sne.s32 s0, $0x0;
	s0 =	rddreg [dreg:$0x2]  }
0x11b: {  	s0 =	sadd.s32 @!p0 $0x100000, s0  }
0x11c: {  	[sflag:s0] =	ssyncadd.tile.s32 @!p0 $0x1;
	_ =	shalt  }
.Lfunc_end2:
_tile_overlayer_lowered:
.L_overlay_start_2:
0x11d: {  	(tag) =	ssettag $0x2  }
0x11e: {  	s0 =	rddreg [dreg:$0x0];
	s2 =	stileid.u32  }
0x11f: {  	s1 =	rddreg [dreg:$0x1];
	p0 =	sne.s32 s2, $0x0  }
0x120: {  	s3 =	rddreg [dreg:$0x2];
	[bflag:$0x3] =	sbarrier.arrive $0xFFFF;
	s2 =	simm.s32 @!p0 $0x1C05  }
0x121: {  	[timem:s3], [sflag:s2] =	dma.local @!p0 [hbm:s0], s1  }
0x122: {  	s0 =	simm.s32 @!p0 $0x5  }
0x123: {  	_ =	swait.ge @!p0 [sflag:s0], s1  }
0x124: {  	s1 =	ssub.s32 @!p0 $0x0, s1;
	[sflag:s0] =	ssyncset.done @!p0 $0x0  }
0x125: {  	[sflag:s0] =	ssyncadd.s32 @!p0 s1  }
0x126: {  	[bflag:$0x3] =	sbarrier.arrive $0xFFFF  }
0x127: {  	_ =	shalt  }

</sc_bundles>
